<compile_context>
chip_gen: v7x
topology: tpu7x:2x2x1
jax: 0.10.2.dev20260603
libtpu: 0.0.44.dev20260713+nightly
codegen_flags: <defaults>
</compile_context>

<pallas_src>
import functools

import jax
import jax.numpy as jnp
from jax import lax
from jax.experimental import pallas as pl
from jax.experimental.pallas import tpu as pltpu
from jax.experimental.pallas import tpu_sc as plsc

ROWS = 128
SCAN = 100000
LANES = 16
NUM_CORES = 2
NUM_SUBCORES = 16
NUM_WORKERS = NUM_CORES * NUM_SUBCORES

CGROUPS = ROWS // LANES
TILE_R = 8
CHUNK_TR = 46
CHUNK_ROWS = CHUNK_TR * TILE_R
NCHUNKS = 4
TR_PER_W = CHUNK_TR * NCHUNKS
ROWS_PER_W = TR_PER_W * TILE_R
SC_SPAN = NUM_WORKERS * ROWS_PER_W
RU = 2
NBUF = 2

TC_BLOCK = 4000
TC_START_BLK = 11
TC_NBLKS = SCAN // TC_BLOCK - TC_START_BLK


def _scan_chunk(buf, ms, gs, ivec):

    def body(i, carry):
        ms, gs, ivec = carry
        ms, gs = list(ms), list(gs)
        base = pl.multiple_of(i * RU, RU)
        for p in range(RU):
            for cg in range(CGROUPS):
                u = p * CGROUPS + cg
                v = buf[base + p, pl.ds(cg * LANES, LANES)]
                take = v > ms[u]
                ms[u] = jnp.where(take, v, ms[u])
                gs[u] = jnp.where(take, ivec, gs[u])
        return tuple(ms), tuple(gs), ivec + 1

    ms, gs, ivec = lax.fori_loop(
        0, CHUNK_ROWS // RU, body, (tuple(ms), tuple(gs), ivec)
    )
    return list(ms), list(gs), ivec


def _sc_argmax_body(emb_hbm, out_hbm, buf0, buf1, stage, sem0, sem1):
    cid = lax.axis_index("c")
    sid = lax.axis_index("s")
    w = cid * NUM_SUBCORES + sid
    row_base = pl.multiple_of(w * ROWS_PER_W, TILE_R)

    neg_inf = jnp.full((LANES,), -jnp.inf, jnp.float32)
    zero = jnp.zeros((LANES,), jnp.int32)
    bufs = (buf0, buf1)
    sems = (sem0, sem1)

    def start(k):
        roff = pl.multiple_of(row_base + k * CHUNK_ROWS, TILE_R)
        return pltpu.async_copy(
            emb_hbm.at[pl.ds(roff, CHUNK_ROWS)], bufs[k % NBUF], sems[k % NBUF]
        )

    handles = {0: start(0)}
    nchains = CGROUPS * RU
    ms = [neg_inf] * nchains
    gs = [zero] * nchains
    ivec = zero
    for k in range(NCHUNKS):
        if k + 1 < NCHUNKS:
            handles[k + 1] = start(k + 1)
        handles[k].wait()
        ms, gs, ivec = _scan_chunk(bufs[k % NBUF], ms, gs, ivec)

    for p in range(RU):
        for cg in range(CGROUPS):
            u = p * CGROUPS + cg
            gs[u] = row_base + gs[u] * RU + p
    mm = [ms[cg] for cg in range(CGROUPS)]
    gg = [gs[cg] for cg in range(CGROUPS)]
    for p in range(1, RU):
        for cg in range(CGROUPS):
            u = p * CGROUPS + cg
            m2, g2 = ms[u], gs[u]
            better = (m2 > mm[cg]) | ((m2 == mm[cg]) & (g2 < gg[cg]))
            mm[cg] = jnp.where(better, m2, mm[cg])
            gg[cg] = jnp.where(better, g2, gg[cg])

    for cg in range(CGROUPS):
        stage[0, cg, :] = mm[cg]
        stage[1, cg, :] = gg[cg].astype(jnp.float32)
    pltpu.sync_copy(stage, out_hbm.at[w])


def _tc_argmax_body(x_ref, out_ref):
    i = pl.program_id(0)
    x = x_ref[...]
    m = jnp.max(x, axis=0)
    ridx = lax.broadcasted_iota(jnp.int32, (TC_BLOCK, ROWS), 0)
    g = jnp.min(jnp.where(x == m[None, :], ridx, jnp.int32(0x7FFFFFFF)), axis=0)
    row0 = (TC_START_BLK + i) * TC_BLOCK
    gf = (g + row0).astype(jnp.float32)

    @pl.when(i == 0)
    def _():
        out_ref[0, :] = m
        out_ref[1, :] = gf

    @pl.when(i > 0)
    def _():
        pm = out_ref[0, :]
        better = m > pm
        out_ref[0, :] = jnp.where(better, m, pm)
        out_ref[1, :] = jnp.where(better, gf, out_ref[1, :])


@jax.jit
def kernel(embedding):
    emb_t = embedding.T

    sc_call = functools.partial(
        pl.kernel,
        mesh=plsc.VectorSubcoreMesh(core_axis_name="c", subcore_axis_name="s"),
        out_type=jax.ShapeDtypeStruct((NUM_WORKERS, 2, CGROUPS, LANES), jnp.float32),
        scratch_types=[
            pltpu.VMEM((CHUNK_ROWS, ROWS), jnp.float32),
            pltpu.VMEM((CHUNK_ROWS, ROWS), jnp.float32),
            pltpu.VMEM((2, CGROUPS, LANES), jnp.float32),
            pltpu.SemaphoreType.DMA,
            pltpu.SemaphoreType.DMA,
        ],
    )(_sc_argmax_body)
    sc_out = sc_call(emb_t)

    tc_out = pl.pallas_call(
        _tc_argmax_body,
        grid=(TC_NBLKS,),
        in_specs=[
            pl.BlockSpec((TC_BLOCK, ROWS), lambda i: (TC_START_BLK + i, 0))
        ],
        out_specs=pl.BlockSpec((2, ROWS), lambda i: (0, 0)),
        out_shape=jax.ShapeDtypeStruct((2, ROWS), jnp.float32),
        compiler_params=pltpu.CompilerParams(
            dimension_semantics=("arbitrary",)
        ),
    )(emb_t)

    msc = sc_out[:, 0].reshape(NUM_WORKERS, ROWS)
    gsc = sc_out[:, 1].reshape(NUM_WORKERS, ROWS)
    wbest = jnp.argmax(msc, axis=0)
    m = jnp.take_along_axis(msc, wbest[None, :], axis=0)[0]
    g = jnp.take_along_axis(gsc, wbest[None, :], axis=0)[0]
    mt, gt = tc_out[0], tc_out[1]
    taket = (mt > m) | ((mt == m) & (gt < g))
    return jnp.where(taket, gt, g).astype(jnp.int32)

# --- scband reference (transcript-rebuilt; emitter-appended) ---
"""Pipeline reference for scband-stochastic-classifier-75634374082637 (READ-ONLY COPY).

The authoritative reference and input builder live on the scoring server;
editing this copy changes nothing except your own understanding.
"""

import jax, jax.numpy as jnp
import numpy as np


def setup_inputs(seed: int = 0) -> dict:
    key = jax.random.key(seed)
    embedding = jax.random.normal(key, (128, 100000), dtype=jnp.float32)
    return {"embedding": embedding}


def reference(embedding):
    # StochasticClassifier.forward in eval mode (deterministic path):
    #   _, tokens = embedding.max(dim=-1)  -> argmax over classes
    # returns (tokens, None); we return the tokens array.
    assert embedding.ndim == 2
    tokens = jnp.argmax(embedding, axis=-1)
    return tokens

if __name__ == "__main__":
    import jax
    _d = setup_inputs()
    print(jax.jit(kernel)(*tuple(_d.values())))

</pallas_src>

<mosaic_0001>
#map = affine_map<(d0, d1) -> (0, 0)>
#map1 = affine_map<(d0, d1) -> (0, 0, 0, 0)>
module attributes {stable_mosaic.version = 14 : i64} {
  func.func @_sc_argmax_body(%arg0: i32, %arg1: i32, %arg2: memref<100000x128xf32, #tpu.memory_space<hbm>>, %arg3: memref<32x2x8x16xf32, #tpu.memory_space<hbm>>, %arg4: memref<368x128xf32, #tpu.memory_space<vmem>>, %arg5: memref<368x128xf32, #tpu.memory_space<vmem>>, %arg6: memref<2x8x16xf32, #tpu.memory_space<vmem>>, %arg7: memref<!tpu.dma_semaphore, #tpu.memory_space<semaphore_mem>>, %arg8: memref<!tpu.dma_semaphore, #tpu.memory_space<semaphore_mem>>) attributes {dimension_semantics = [#tpu.dimension_semantics<core_parallel>, #tpu.dimension_semantics<subcore_parallel>], iteration_bounds = array<i64: 2, 16>, scalar_prefetch = 0 : i64, scratch_operands = 5 : i64, tpu.core_type = #tpu.core_type<sc_vector_subcore>, window_params = [{transform_indices = #map}, {transform_indices = #map1}]} {
    %mul3A = arith.constant 16 : i32
    %mul3A_0 = arith.muli %arg0, %mul3A : i32
    %add3A = arith.addi %mul3A_0, %arg1 : i32
    %mul3A_1 = arith.constant 1472 : i32
    %mul3A_2 = arith.muli %add3A, %mul3A_1 : i32
    %multiple_of3A = tpu.assume_multiple %mul3A_2, 8 : i32
    %broadcast_in_dim3A = arith.constant 0xFF800000 : f32
    %broadcast_in_dim3A_3 = vector.broadcast %broadcast_in_dim3A : f32 to vector<16xf32>
    %broadcast_in_dim3A_4 = arith.constant 0 : i32
    %broadcast_in_dim3A_5 = vector.broadcast %broadcast_in_dim3A_4 : i32 to vector<16xi32>
    %add3A_6 = arith.constant 0 : i32
    %add3A_7 = arith.addi %multiple_of3A, %add3A_6 : i32
    %multiple_of3A_8 = tpu.assume_multiple %add3A_7, 8 : i32
    %dma_start3A = arith.constant 0 : i32
    %dma_start3A_9 = tpu.memref_slice %arg2[%multiple_of3A_8, %dma_start3A] : memref<100000x128xf32, #tpu.memory_space<hbm>> -> memref<368x128xf32, #tpu.memory_space<hbm>>
    %dma_start3A_10 = arith.constant 0 : i32
    %dma_start3A_11 = tpu.memref_slice %arg2[%multiple_of3A_8, %dma_start3A_10] : memref<100000x128xf32, #tpu.memory_space<hbm>> -> memref<368x128xf32, #tpu.memory_space<hbm>>
    tpu.enqueue_dma source(%dma_start3A_11 : memref<368x128xf32, #tpu.memory_space<hbm>>) target(%arg4 : memref<368x128xf32, #tpu.memory_space<vmem>>) target_semaphore(%arg7 : memref<!tpu.dma_semaphore, #tpu.memory_space<semaphore_mem>>)
    %add3A_12 = arith.constant 368 : i32
    %add3A_13 = arith.addi %multiple_of3A, %add3A_12 : i32
    %multiple_of3A_14 = tpu.assume_multiple %add3A_13, 8 : i32
    %dma_start3A_15 = arith.constant 0 : i32
    %dma_start3A_16 = tpu.memref_slice %arg2[%multiple_of3A_14, %dma_start3A_15] : memref<100000x128xf32, #tpu.memory_space<hbm>> -> memref<368x128xf32, #tpu.memory_space<hbm>>
    %dma_start3A_17 = arith.constant 0 : i32
    %dma_start3A_18 = tpu.memref_slice %arg2[%multiple_of3A_14, %dma_start3A_17] : memref<100000x128xf32, #tpu.memory_space<hbm>> -> memref<368x128xf32, #tpu.memory_space<hbm>>
    tpu.enqueue_dma source(%dma_start3A_18 : memref<368x128xf32, #tpu.memory_space<hbm>>) target(%arg5 : memref<368x128xf32, #tpu.memory_space<vmem>>) target_semaphore(%arg8 : memref<!tpu.dma_semaphore, #tpu.memory_space<semaphore_mem>>)
    %dma_wait3A = arith.constant 0 : i32
    %dma_wait3A_19 = tpu.memref_slice %arg2[%multiple_of3A_8, %dma_wait3A] : memref<100000x128xf32, #tpu.memory_space<hbm>> -> memref<368x128xf32, #tpu.memory_space<hbm>>
    %dma_wait3A_20 = arith.constant 0 : i32
    %dma_wait3A_21 = tpu.memref_slice %arg2[%multiple_of3A_8, %dma_wait3A_20] : memref<100000x128xf32, #tpu.memory_space<hbm>> -> memref<368x128xf32, #tpu.memory_space<hbm>>
    tpu.wait_dma2 semaphore(%arg7 : memref<!tpu.dma_semaphore, #tpu.memory_space<semaphore_mem>>) src(%dma_wait3A_21 : memref<368x128xf32, #tpu.memory_space<hbm>>) dst(%arg4 : memref<368x128xf32, #tpu.memory_space<vmem>>)
    %scan3A = arith.constant 0 : i32
    %scan3A_22 = arith.constant 184 : i32
    %scan3A_23 = arith.addi %scan3A, %scan3A_22 : i32
    %scan3A_24 = arith.constant 1 : i32
    %scan3A_25:33 = scf.for %scan3A_383 = %scan3A to %scan3A_23 step %scan3A_24 iter_args(%scan3A_384 = %broadcast_in_dim3A_3, %scan3A_385 = %broadcast_in_dim3A_3, %scan3A_386 = %broadcast_in_dim3A_3, %scan3A_387 = %broadcast_in_dim3A_3, %scan3A_388 = %broadcast_in_dim3A_3, %scan3A_389 = %broadcast_in_dim3A_3, %scan3A_390 = %broadcast_in_dim3A_3, %scan3A_391 = %broadcast_in_dim3A_3, %scan3A_392 = %broadcast_in_dim3A_3, %scan3A_393 = %broadcast_in_dim3A_3, %scan3A_394 = %broadcast_in_dim3A_3, %scan3A_395 = %broadcast_in_dim3A_3, %scan3A_396 = %broadcast_in_dim3A_3, %scan3A_397 = %broadcast_in_dim3A_3, %scan3A_398 = %broadcast_in_dim3A_3, %scan3A_399 = %broadcast_in_dim3A_3, %scan3A_400 = %broadcast_in_dim3A_5, %scan3A_401 = %broadcast_in_dim3A_5, %scan3A_402 = %broadcast_in_dim3A_5, %scan3A_403 = %broadcast_in_dim3A_5, %scan3A_404 = %broadcast_in_dim3A_5, %scan3A_405 = %broadcast_in_dim3A_5, %scan3A_406 = %broadcast_in_dim3A_5, %scan3A_407 = %broadcast_in_dim3A_5, %scan3A_408 = %broadcast_in_dim3A_5, %scan3A_409 = %broadcast_in_dim3A_5, %scan3A_410 = %broadcast_in_dim3A_5, %scan3A_411 = %broadcast_in_dim3A_5, %scan3A_412 = %broadcast_in_dim3A_5, %scan3A_413 = %broadcast_in_dim3A_5, %scan3A_414 = %broadcast_in_dim3A_5, %scan3A_415 = %broadcast_in_dim3A_5, %scan3A_416 = %broadcast_in_dim3A_5) -> (vector<16xf32>, vector<16xf32>, vector<16xf32>, vector<16xf32>, vector<16xf32>, vector<16xf32>, vector<16xf32>, vector<16xf32>, vector<16xf32>, vector<16xf32>, vector<16xf32>, vector<16xf32>, vector<16xf32>, vector<16xf32>, vector<16xf32>, vector<16xf32>, vector<16xi32>, vector<16xi32>, vector<16xi32>, vector<16xi32>, vector<16xi32>, vector<16xi32>, vector<16xi32>, vector<16xi32>, vector<16xi32>, vector<16xi32>, vector<16xi32>, vector<16xi32>, vector<16xi32>, vector<16xi32>, vector<16xi32>, vector<16xi32>, vector<16xi32>)  : i32 {
      %mul3A_417 = arith.constant 2 : i32
      %mul3A_418 = arith.muli %scan3A_383, %mul3A_417 : i32
      %multiple_of3A_419 = tpu.assume_multiple %mul3A_418, 2 : i32
      %add3A_420 = arith.constant 0 : i32
      %add3A_421 = arith.addi %multiple_of3A_419, %add3A_420 : i32
      %get3A = arith.index_cast %add3A_421 : i32 to index
      %get3A_422 = arith.constant 0 : index
      %get3A_423 = tpu.vector_load %arg4[%get3A, %get3A_422] {strides = array<i32>} : memref<368x128xf32, #tpu.memory_space<vmem>>, vector<1x16xf32>,
      %get3A_424 = vector.shape_cast %get3A_423 : vector<1x16xf32> to vector<16xf32>
      %gt3A_425 = arith.cmpf ogt, %get3A_424, %scan3A_384 : vector<16xf32>
      %select_n3A_426 = arith.select %gt3A_425, %get3A_424, %scan3A_384 : vector<16xi1>, vector<16xf32>
      %select_n3A_427 = arith.select %gt3A_425, %scan3A_416, %scan3A_400 : vector<16xi1>, vector<16xi32>
      %add3A_428 = arith.constant 0 : i32
      %add3A_429 = arith.addi %multiple_of3A_419, %add3A_428 : i32
      %get3A_430 = arith.index_cast %add3A_429 : i32 to index
      %get3A_431 = arith.constant 16 : index
      %get3A_432 = tpu.vector_load %arg4[%get3A_430, %get3A_431] {strides = array<i32>} : memref<368x128xf32, #tpu.memory_space<vmem>>, vector<1x16xf32>,
      %get3A_433 = vector.shape_cast %get3A_432 : vector<1x16xf32> to vector<16xf32>
      %gt3A_434 = arith.cmpf ogt, %get3A_433, %scan3A_385 : vector<16xf32>
      %select_n3A_435 = arith.select %gt3A_434, %get3A_433, %scan3A_385 : vector<16xi1>, vector<16xf32>
      %select_n3A_436 = arith.select %gt3A_434, %scan3A_416, %scan3A_401 : vector<16xi1>, vector<16xi32>
      %add3A_437 = arith.constant 0 : i32
      %add3A_438 = arith.addi %multiple_of3A_419, %add3A_437 : i32
      %get3A_439 = arith.index_cast %add3A_438 : i32 to index
      %get3A_440 = arith.constant 32 : index
      %get3A_441 = tpu.vector_load %arg4[%get3A_439, %get3A_440] {strides = array<i32>} : memref<368x128xf32, #tpu.memory_space<vmem>>, vector<1x16xf32>,
      %get3A_442 = vector.shape_cast %get3A_441 : vector<1x16xf32> to vector<16xf32>
      %gt3A_443 = arith.cmpf ogt, %get3A_442, %scan3A_386 : vector<16xf32>
      %select_n3A_444 = arith.select %gt3A_443, %get3A_442, %scan3A_386 : vector<16xi1>, vector<16xf32>
      %select_n3A_445 = arith.select %gt3A_443, %scan3A_416, %scan3A_402 : vector<16xi1>, vector<16xi32>
      %add3A_446 = arith.constant 0 : i32
      %add3A_447 = arith.addi %multiple_of3A_419, %add3A_446 : i32
      %get3A_448 = arith.index_cast %add3A_447 : i32 to index
      %get3A_449 = arith.constant 48 : index
      %get3A_450 = tpu.vector_load %arg4[%get3A_448, %get3A_449] {strides = array<i32>} : memref<368x128xf32, #tpu.memory_space<vmem>>, vector<1x16xf32>,
      %get3A_451 = vector.shape_cast %get3A_450 : vector<1x16xf32> to vector<16xf32>
      %gt3A_452 = arith.cmpf ogt, %get3A_451, %scan3A_387 : vector<16xf32>
      %select_n3A_453 = arith.select %gt3A_452, %get3A_451, %scan3A_387 : vector<16xi1>, vector<16xf32>
      %select_n3A_454 = arith.select %gt3A_452, %scan3A_416, %scan3A_403 : vector<16xi1>, vector<16xi32>
      %add3A_455 = arith.constant 0 : i32
      %add3A_456 = arith.addi %multiple_of3A_419, %add3A_455 : i32
      %get3A_457 = arith.index_cast %add3A_456 : i32 to index
      %get3A_458 = arith.constant 64 : index
      %get3A_459 = tpu.vector_load %arg4[%get3A_457, %get3A_458] {strides = array<i32>} : memref<368x128xf32, #tpu.memory_space<vmem>>, vector<1x16xf32>,
      %get3A_460 = vector.shape_cast %get3A_459 : vector<1x16xf32> to vector<16xf32>
      %gt3A_461 = arith.cmpf ogt, %get3A_460, %scan3A_388 : vector<16xf32>
      %select_n3A_462 = arith.select %gt3A_461, %get3A_460, %scan3A_388 : vector<16xi1>, vector<16xf32>
      %select_n3A_463 = arith.select %gt3A_461, %scan3A_416, %scan3A_404 : vector<16xi1>, vector<16xi32>
      %add3A_464 = arith.constant 0 : i32
      %add3A_465 = arith.addi %multiple_of3A_419, %add3A_464 : i32
      %get3A_466 = arith.index_cast %add3A_465 : i32 to index
      %get3A_467 = arith.constant 80 : index
      %get3A_468 = tpu.vector_load %arg4[%get3A_466, %get3A_467] {strides = array<i32>} : memref<368x128xf32, #tpu.memory_space<vmem>>, vector<1x16xf32>,
      %get3A_469 = vector.shape_cast %get3A_468 : vector<1x16xf32> to vector<16xf32>
      %gt3A_470 = arith.cmpf ogt, %get3A_469, %scan3A_389 : vector<16xf32>
      %select_n3A_471 = arith.select %gt3A_470, %get3A_469, %scan3A_389 : vector<16xi1>, vector<16xf32>
      %select_n3A_472 = arith.select %gt3A_470, %scan3A_416, %scan3A_405 : vector<16xi1>, vector<16xi32>
      %add3A_473 = arith.constant 0 : i32
      %add3A_474 = arith.addi %multiple_of3A_419, %add3A_473 : i32
      %get3A_475 = arith.index_cast %add3A_474 : i32 to index
      %get3A_476 = arith.constant 96 : index
      %get3A_477 = tpu.vector_load %arg4[%get3A_475, %get3A_476] {strides = array<i32>} : memref<368x128xf32, #tpu.memory_space<vmem>>, vector<1x16xf32>,
      %get3A_478 = vector.shape_cast %get3A_477 : vector<1x16xf32> to vector<16xf32>
      %gt3A_479 = arith.cmpf ogt, %get3A_478, %scan3A_390 : vector<16xf32>
      %select_n3A_480 = arith.select %gt3A_479, %get3A_478, %scan3A_390 : vector<16xi1>, vector<16xf32>
      %select_n3A_481 = arith.select %gt3A_479, %scan3A_416, %scan3A_406 : vector<16xi1>, vector<16xi32>
      %add3A_482 = arith.constant 0 : i32
      %add3A_483 = arith.addi %multiple_of3A_419, %add3A_482 : i32
      %get3A_484 = arith.index_cast %add3A_483 : i32 to index
      %get3A_485 = arith.constant 112 : index
      %get3A_486 = tpu.vector_load %arg4[%get3A_484, %get3A_485] {strides = array<i32>} : memref<368x128xf32, #tpu.memory_space<vmem>>, vector<1x16xf32>,
      %get3A_487 = vector.shape_cast %get3A_486 : vector<1x16xf32> to vector<16xf32>
      %gt3A_488 = arith.cmpf ogt, %get3A_487, %scan3A_391 : vector<16xf32>
      %select_n3A_489 = arith.select %gt3A_488, %get3A_487, %scan3A_391 : vector<16xi1>, vector<16xf32>
      %select_n3A_490 = arith.select %gt3A_488, %scan3A_416, %scan3A_407 : vector<16xi1>, vector<16xi32>
      %add3A_491 = arith.constant 1 : i32
      %add3A_492 = arith.addi %multiple_of3A_419, %add3A_491 : i32
      %get3A_493 = arith.index_cast %add3A_492 : i32 to index
      %get3A_494 = arith.constant 0 : index
      %get3A_495 = tpu.vector_load %arg4[%get3A_493, %get3A_494] {strides = array<i32>} : memref<368x128xf32, #tpu.memory_space<vmem>>, vector<1x16xf32>,
      %get3A_496 = vector.shape_cast %get3A_495 : vector<1x16xf32> to vector<16xf32>
      %gt3A_497 = arith.cmpf ogt, %get3A_496, %scan3A_392 : vector<16xf32>
      %select_n3A_498 = arith.select %gt3A_497, %get3A_496, %scan3A_392 : vector<16xi1>, vector<16xf32>
      %select_n3A_499 = arith.select %gt3A_497, %scan3A_416, %scan3A_408 : vector<16xi1>, vector<16xi32>
      %add3A_500 = arith.constant 1 : i32
      %add3A_501 = arith.addi %multiple_of3A_419, %add3A_500 : i32
      %get3A_502 = arith.index_cast %add3A_501 : i32 to index
      %get3A_503 = arith.constant 16 : index
      %get3A_504 = tpu.vector_load %arg4[%get3A_502, %get3A_503] {strides = array<i32>} : memref<368x128xf32, #tpu.memory_space<vmem>>, vector<1x16xf32>,
      %get3A_505 = vector.shape_cast %get3A_504 : vector<1x16xf32> to vector<16xf32>
      %gt3A_506 = arith.cmpf ogt, %get3A_505, %scan3A_393 : vector<16xf32>
      %select_n3A_507 = arith.select %gt3A_506, %get3A_505, %scan3A_393 : vector<16xi1>, vector<16xf32>
      %select_n3A_508 = arith.select %gt3A_506, %scan3A_416, %scan3A_409 : vector<16xi1>, vector<16xi32>
      %add3A_509 = arith.constant 1 : i32
      %add3A_510 = arith.addi %multiple_of3A_419, %add3A_509 : i32
      %get3A_511 = arith.index_cast %add3A_510 : i32 to index
      %get3A_512 = arith.constant 32 : index
      %get3A_513 = tpu.vector_load %arg4[%get3A_511, %get3A_512] {strides = array<i32>} : memref<368x128xf32, #tpu.memory_space<vmem>>, vector<1x16xf32>,
      %get3A_514 = vector.shape_cast %get3A_513 : vector<1x16xf32> to vector<16xf32>
      %gt3A_515 = arith.cmpf ogt, %get3A_514, %scan3A_394 : vector<16xf32>
      %select_n3A_516 = arith.select %gt3A_515, %get3A_514, %scan3A_394 : vector<16xi1>, vector<16xf32>
      %select_n3A_517 = arith.select %gt3A_515, %scan3A_416, %scan3A_410 : vector<16xi1>, vector<16xi32>
      %add3A_518 = arith.constant 1 : i32
      %add3A_519 = arith.addi %multiple_of3A_419, %add3A_518 : i32
      %get3A_520 = arith.index_cast %add3A_519 : i32 to index
      %get3A_521 = arith.constant 48 : index
      %get3A_522 = tpu.vector_load %arg4[%get3A_520, %get3A_521] {strides = array<i32>} : memref<368x128xf32, #tpu.memory_space<vmem>>, vector<1x16xf32>,
      %get3A_523 = vector.shape_cast %get3A_522 : vector<1x16xf32> to vector<16xf32>
      %gt3A_524 = arith.cmpf ogt, %get3A_523, %scan3A_395 : vector<16xf32>
      %select_n3A_525 = arith.select %gt3A_524, %get3A_523, %scan3A_395 : vector<16xi1>, vector<16xf32>
      %select_n3A_526 = arith.select %gt3A_524, %scan3A_416, %scan3A_411 : vector<16xi1>, vector<16xi32>
      %add3A_527 = arith.constant 1 : i32
      %add3A_528 = arith.addi %multiple_of3A_419, %add3A_527 : i32
      %get3A_529 = arith.index_cast %add3A_528 : i32 to index
      %get3A_530 = arith.constant 64 : index
      %get3A_531 = tpu.vector_load %arg4[%get3A_529, %get3A_530] {strides = array<i32>} : memref<368x128xf32, #tpu.memory_space<vmem>>, vector<1x16xf32>,
      %get3A_532 = vector.shape_cast %get3A_531 : vector<1x16xf32> to vector<16xf32>
      %gt3A_533 = arith.cmpf ogt, %get3A_532, %scan3A_396 : vector<16xf32>
      %select_n3A_534 = arith.select %gt3A_533, %get3A_532, %scan3A_396 : vector<16xi1>, vector<16xf32>
      %select_n3A_535 = arith.select %gt3A_533, %scan3A_416, %scan3A_412 : vector<16xi1>, vector<16xi32>
      %add3A_536 = arith.constant 1 : i32
      %add3A_537 = arith.addi %multiple_of3A_419, %add3A_536 : i32
      %get3A_538 = arith.index_cast %add3A_537 : i32 to index
      %get3A_539 = arith.constant 80 : index
      %get3A_540 = tpu.vector_load %arg4[%get3A_538, %get3A_539] {strides = array<i32>} : memref<368x128xf32, #tpu.memory_space<vmem>>, vector<1x16xf32>,
      %get3A_541 = vector.shape_cast %get3A_540 : vector<1x16xf32> to vector<16xf32>
      %gt3A_542 = arith.cmpf ogt, %get3A_541, %scan3A_397 : vector<16xf32>
      %select_n3A_543 = arith.select %gt3A_542, %get3A_541, %scan3A_397 : vector<16xi1>, vector<16xf32>
      %select_n3A_544 = arith.select %gt3A_542, %scan3A_416, %scan3A_413 : vector<16xi1>, vector<16xi32>
      %add3A_545 = arith.constant 1 : i32
      %add3A_546 = arith.addi %multiple_of3A_419, %add3A_545 : i32
      %get3A_547 = arith.index_cast %add3A_546 : i32 to index
      %get3A_548 = arith.constant 96 : index
      %get3A_549 = tpu.vector_load %arg4[%get3A_547, %get3A_548] {strides = array<i32>} : memref<368x128xf32, #tpu.memory_space<vmem>>, vector<1x16xf32>,
      %get3A_550 = vector.shape_cast %get3A_549 : vector<1x16xf32> to vector<16xf32>
      %gt3A_551 = arith.cmpf ogt, %get3A_550, %scan3A_398 : vector<16xf32>
      %select_n3A_552 = arith.select %gt3A_551, %get3A_550, %scan3A_398 : vector<16xi1>, vector<16xf32>
      %select_n3A_553 = arith.select %gt3A_551, %scan3A_416, %scan3A_414 : vector<16xi1>, vector<16xi32>
      %add3A_554 = arith.constant 1 : i32
      %add3A_555 = arith.addi %multiple_of3A_419, %add3A_554 : i32
      %get3A_556 = arith.index_cast %add3A_555 : i32 to index
      %get3A_557 = arith.constant 112 : index
      %get3A_558 = tpu.vector_load %arg4[%get3A_556, %get3A_557] {strides = array<i32>} : memref<368x128xf32, #tpu.memory_space<vmem>>, vector<1x16xf32>,
      %get3A_559 = vector.shape_cast %get3A_558 : vector<1x16xf32> to vector<16xf32>
      %gt3A_560 = arith.cmpf ogt, %get3A_559, %scan3A_399 : vector<16xf32>
      %select_n3A_561 = arith.select %gt3A_560, %get3A_559, %scan3A_399 : vector<16xi1>, vector<16xf32>
      %select_n3A_562 = arith.select %gt3A_560, %scan3A_416, %scan3A_415 : vector<16xi1>, vector<16xi32>
      %add3A_563 = arith.constant 1 : i32
      %add3A_564 = vector.broadcast %add3A_563 : i32 to vector<16xi32>
      %add3A_565 = arith.addi %scan3A_416, %add3A_564 : vector<16xi32>
      scf.yield %select_n3A_426, %select_n3A_435, %select_n3A_444, %select_n3A_453, %select_n3A_462, %select_n3A_471, %select_n3A_480, %select_n3A_489, %select_n3A_498, %select_n3A_507, %select_n3A_516, %select_n3A_525, %select_n3A_534, %select_n3A_543, %select_n3A_552, %select_n3A_561, %select_n3A_427, %select_n3A_436, %select_n3A_445, %select_n3A_454, %select_n3A_463, %select_n3A_472, %select_n3A_481, %select_n3A_490, %select_n3A_499, %select_n3A_508, %select_n3A_517, %select_n3A_526, %select_n3A_535, %select_n3A_544, %select_n3A_553, %select_n3A_562, %add3A_565 : vector<16xf32>, vector<16xf32>, vector<16xf32>, vector<16xf32>, vector<16xf32>, vector<16xf32>, vector<16xf32>, vector<16xf32>, vector<16xf32>, vector<16xf32>, vector<16xf32>, vector<16xf32>, vector<16xf32>, vector<16xf32>, vector<16xf32>, vector<16xf32>, vector<16xi32>, vector<16xi32>, vector<16xi32>, vector<16xi32>, vector<16xi32>, vector<16xi32>, vector<16xi32>, vector<16xi32>, vector<16xi32>, vector<16xi32>, vector<16xi32>, vector<16xi32>, vector<16xi32>, vector<16xi32>, vector<16xi32>, vector<16xi32>, vector<16xi32>
    }
    %scan3A_26 = arith.constant 184 : i32
    %add3A_27 = arith.constant 736 : i32
    %add3A_28 = arith.addi %multiple_of3A, %add3A_27 : i32
    %multiple_of3A_29 = tpu.assume_multiple %add3A_28, 8 : i32
    %dma_start3A_30 = arith.constant 0 : i32
    %dma_start3A_31 = tpu.memref_slice %arg2[%multiple_of3A_29, %dma_start3A_30] : memref<100000x128xf32, #tpu.memory_space<hbm>> -> memref<368x128xf32, #tpu.memory_space<hbm>>
    %dma_start3A_32 = arith.constant 0 : i32
    %dma_start3A_33 = tpu.memref_slice %arg2[%multiple_of3A_29, %dma_start3A_32] : memref<100000x128xf32, #tpu.memory_space<hbm>> -> memref<368x128xf32, #tpu.memory_space<hbm>>
    tpu.enqueue_dma source(%dma_start3A_33 : memref<368x128xf32, #tpu.memory_space<hbm>>) target(%arg4 : memref<368x128xf32, #tpu.memory_space<vmem>>) target_semaphore(%arg7 : memref<!tpu.dma_semaphore, #tpu.memory_space<semaphore_mem>>)
    %dma_wait3A_34 = arith.constant 0 : i32
    %dma_wait3A_35 = tpu.memref_slice %arg2[%multiple_of3A_14, %dma_wait3A_34] : memref<100000x128xf32, #tpu.memory_space<hbm>> -> memref<368x128xf32, #tpu.memory_space<hbm>>
    %dma_wait3A_36 = arith.constant 0 : i32
    %dma_wait3A_37 = tpu.memref_slice %arg2[%multiple_of3A_14, %dma_wait3A_36] : memref<100000x128xf32, #tpu.memory_space<hbm>> -> memref<368x128xf32, #tpu.memory_space<hbm>>
    tpu.wait_dma2 semaphore(%arg8 : memref<!tpu.dma_semaphore, #tpu.memory_space<semaphore_mem>>) src(%dma_wait3A_37 : memref<368x128xf32, #tpu.memory_space<hbm>>) dst(%arg5 : memref<368x128xf32, #tpu.memory_space<vmem>>)
    %scan3A_38 = arith.constant 0 : i32
    %scan3A_39 = arith.constant 184 : i32
    %scan3A_40 = arith.addi %scan3A_38, %scan3A_39 : i32
    %scan3A_41 = arith.constant 1 : i32
    %scan3A_42:33 = scf.for %scan3A_383 = %scan3A_38 to %scan3A_40 step %scan3A_41 iter_args(%scan3A_384 = %scan3A_25#0, %scan3A_385 = %scan3A_25#1, %scan3A_386 = %scan3A_25#2, %scan3A_387 = %scan3A_25#3, %scan3A_388 = %scan3A_25#4, %scan3A_389 = %scan3A_25#5, %scan3A_390 = %scan3A_25#6, %scan3A_391 = %scan3A_25#7, %scan3A_392 = %scan3A_25#8, %scan3A_393 = %scan3A_25#9, %scan3A_394 = %scan3A_25#10, %scan3A_395 = %scan3A_25#11, %scan3A_396 = %scan3A_25#12, %scan3A_397 = %scan3A_25#13, %scan3A_398 = %scan3A_25#14, %scan3A_399 = %scan3A_25#15, %scan3A_400 = %scan3A_25#16, %scan3A_401 = %scan3A_25#17, %scan3A_402 = %scan3A_25#18, %scan3A_403 = %scan3A_25#19, %scan3A_404 = %scan3A_25#20, %scan3A_405 = %scan3A_25#21, %scan3A_406 = %scan3A_25#22, %scan3A_407 = %scan3A_25#23, %scan3A_408 = %scan3A_25#24, %scan3A_409 = %scan3A_25#25, %scan3A_410 = %scan3A_25#26, %scan3A_411 = %scan3A_25#27, %scan3A_412 = %scan3A_25#28, %scan3A_413 = %scan3A_25#29, %scan3A_414 = %scan3A_25#30, %scan3A_415 = %scan3A_25#31, %scan3A_416 = %scan3A_25#32) -> (vector<16xf32>, vector<16xf32>, vector<16xf32>, vector<16xf32>, vector<16xf32>, vector<16xf32>, vector<16xf32>, vector<16xf32>, vector<16xf32>, vector<16xf32>, vector<16xf32>, vector<16xf32>, vector<16xf32>, vector<16xf32>, vector<16xf32>, vector<16xf32>, vector<16xi32>, vector<16xi32>, vector<16xi32>, vector<16xi32>, vector<16xi32>, vector<16xi32>, vector<16xi32>, vector<16xi32>, vector<16xi32>, vector<16xi32>, vector<16xi32>, vector<16xi32>, vector<16xi32>, vector<16xi32>, vector<16xi32>, vector<16xi32>, vector<16xi32>)  : i32 {
      %mul3A_417 = arith.constant 2 : i32
      %mul3A_418 = arith.muli %scan3A_383, %mul3A_417 : i32
      %multiple_of3A_419 = tpu.assume_multiple %mul3A_418, 2 : i32
      %add3A_420 = arith.constant 0 : i32
      %add3A_421 = arith.addi %multiple_of3A_419, %add3A_420 : i32
      %get3A = arith.index_cast %add3A_421 : i32 to index
      %get3A_422 = arith.constant 0 : index
      %get3A_423 = tpu.vector_load %arg5[%get3A, %get3A_422] {strides = array<i32>} : memref<368x128xf32, #tpu.memory_space<vmem>>, vector<1x16xf32>,
      %get3A_424 = vector.shape_cast %get3A_423 : vector<1x16xf32> to vector<16xf32>
      %gt3A_425 = arith.cmpf ogt, %get3A_424, %scan3A_384 : vector<16xf32>
      %select_n3A_426 = arith.select %gt3A_425, %get3A_424, %scan3A_384 : vector<16xi1>, vector<16xf32>
      %select_n3A_427 = arith.select %gt3A_425, %scan3A_416, %scan3A_400 : vector<16xi1>, vector<16xi32>
      %add3A_428 = arith.constant 0 : i32
      %add3A_429 = arith.addi %multiple_of3A_419, %add3A_428 : i32
      %get3A_430 = arith.index_cast %add3A_429 : i32 to index
      %get3A_431 = arith.constant 16 : index
      %get3A_432 = tpu.vector_load %arg5[%get3A_430, %get3A_431] {strides = array<i32>} : memref<368x128xf32, #tpu.memory_space<vmem>>, vector<1x16xf32>,
      %get3A_433 = vector.shape_cast %get3A_432 : vector<1x16xf32> to vector<16xf32>
      %gt3A_434 = arith.cmpf ogt, %get3A_433, %scan3A_385 : vector<16xf32>
      %select_n3A_435 = arith.select %gt3A_434, %get3A_433, %scan3A_385 : vector<16xi1>, vector<16xf32>
      %select_n3A_436 = arith.select %gt3A_434, %scan3A_416, %scan3A_401 : vector<16xi1>, vector<16xi32>
      %add3A_437 = arith.constant 0 : i32
      %add3A_438 = arith.addi %multiple_of3A_419, %add3A_437 : i32
      %get3A_439 = arith.index_cast %add3A_438 : i32 to index
      %get3A_440 = arith.constant 32 : index
      %get3A_441 = tpu.vector_load %arg5[%get3A_439, %get3A_440] {strides = array<i32>} : memref<368x128xf32, #tpu.memory_space<vmem>>, vector<1x16xf32>,
      %get3A_442 = vector.shape_cast %get3A_441 : vector<1x16xf32> to vector<16xf32>
      %gt3A_443 = arith.cmpf ogt, %get3A_442, %scan3A_386 : vector<16xf32>
      %select_n3A_444 = arith.select %gt3A_443, %get3A_442, %scan3A_386 : vector<16xi1>, vector<16xf32>
      %select_n3A_445 = arith.select %gt3A_443, %scan3A_416, %scan3A_402 : vector<16xi1>, vector<16xi32>
      %add3A_446 = arith.constant 0 : i32
      %add3A_447 = arith.addi %multiple_of3A_419, %add3A_446 : i32
      %get3A_448 = arith.index_cast %add3A_447 : i32 to index
      %get3A_449 = arith.constant 48 : index
      %get3A_450 = tpu.vector_load %arg5[%get3A_448, %get3A_449] {strides = array<i32>} : memref<368x128xf32, #tpu.memory_space<vmem>>, vector<1x16xf32>,
      %get3A_451 = vector.shape_cast %get3A_450 : vector<1x16xf32> to vector<16xf32>
      %gt3A_452 = arith.cmpf ogt, %get3A_451, %scan3A_387 : vector<16xf32>
      %select_n3A_453 = arith.select %gt3A_452, %get3A_451, %scan3A_387 : vector<16xi1>, vector<16xf32>
      %select_n3A_454 = arith.select %gt3A_452, %scan3A_416, %scan3A_403 : vector<16xi1>, vector<16xi32>
      %add3A_455 = arith.constant 0 : i32
      %add3A_456 = arith.addi %multiple_of3A_419, %add3A_455 : i32
      %get3A_457 = arith.index_cast %add3A_456 : i32 to index
      %get3A_458 = arith.constant 64 : index
      %get3A_459 = tpu.vector_load %arg5[%get3A_457, %get3A_458] {strides = array<i32>} : memref<368x128xf32, #tpu.memory_space<vmem>>, vector<1x16xf32>,
      %get3A_460 = vector.shape_cast %get3A_459 : vector<1x16xf32> to vector<16xf32>
      %gt3A_461 = arith.cmpf ogt, %get3A_460, %scan3A_388 : vector<16xf32>
      %select_n3A_462 = arith.select %gt3A_461, %get3A_460, %scan3A_388 : vector<16xi1>, vector<16xf32>
      %select_n3A_463 = arith.select %gt3A_461, %scan3A_416, %scan3A_404 : vector<16xi1>, vector<16xi32>
      %add3A_464 = arith.constant 0 : i32
      %add3A_465 = arith.addi %multiple_of3A_419, %add3A_464 : i32
      %get3A_466 = arith.index_cast %add3A_465 : i32 to index
      %get3A_467 = arith.constant 80 : index
      %get3A_468 = tpu.vector_load %arg5[%get3A_466, %get3A_467] {strides = array<i32>} : memref<368x128xf32, #tpu.memory_space<vmem>>, vector<1x16xf32>,
      %get3A_469 = vector.shape_cast %get3A_468 : vector<1x16xf32> to vector<16xf32>
      %gt3A_470 = arith.cmpf ogt, %get3A_469, %scan3A_389 : vector<16xf32>
      %select_n3A_471 = arith.select %gt3A_470, %get3A_469, %scan3A_389 : vector<16xi1>, vector<16xf32>
      %select_n3A_472 = arith.select %gt3A_470, %scan3A_416, %scan3A_405 : vector<16xi1>, vector<16xi32>
      %add3A_473 = arith.constant 0 : i32
      %add3A_474 = arith.addi %multiple_of3A_419, %add3A_473 : i32
      %get3A_475 = arith.index_cast %add3A_474 : i32 to index
      %get3A_476 = arith.constant 96 : index
      %get3A_477 = tpu.vector_load %arg5[%get3A_475, %get3A_476] {strides = array<i32>} : memref<368x128xf32, #tpu.memory_space<vmem>>, vector<1x16xf32>,
      %get3A_478 = vector.shape_cast %get3A_477 : vector<1x16xf32> to vector<16xf32>
      %gt3A_479 = arith.cmpf ogt, %get3A_478, %scan3A_390 : vector<16xf32>
      %select_n3A_480 = arith.select %gt3A_479, %get3A_478, %scan3A_390 : vector<16xi1>, vector<16xf32>
      %select_n3A_481 = arith.select %gt3A_479, %scan3A_416, %scan3A_406 : vector<16xi1>, vector<16xi32>
      %add3A_482 = arith.constant 0 : i32
      %add3A_483 = arith.addi %multiple_of3A_419, %add3A_482 : i32
      %get3A_484 = arith.index_cast %add3A_483 : i32 to index
      %get3A_485 = arith.constant 112 : index
      %get3A_486 = tpu.vector_load %arg5[%get3A_484, %get3A_485] {strides = array<i32>} : memref<368x128xf32, #tpu.memory_space<vmem>>, vector<1x16xf32>,
      %get3A_487 = vector.shape_cast %get3A_486 : vector<1x16xf32> to vector<16xf32>
      %gt3A_488 = arith.cmpf ogt, %get3A_487, %scan3A_391 : vector<16xf32>
      %select_n3A_489 = arith.select %gt3A_488, %get3A_487, %scan3A_391 : vector<16xi1>, vector<16xf32>
      %select_n3A_490 = arith.select %gt3A_488, %scan3A_416, %scan3A_407 : vector<16xi1>, vector<16xi32>
      %add3A_491 = arith.constant 1 : i32
      %add3A_492 = arith.addi %multiple_of3A_419, %add3A_491 : i32
      %get3A_493 = arith.index_cast %add3A_492 : i32 to index
      %get3A_494 = arith.constant 0 : index
      %get3A_495 = tpu.vector_load %arg5[%get3A_493, %get3A_494] {strides = array<i32>} : memref<368x128xf32, #tpu.memory_space<vmem>>, vector<1x16xf32>,
      %get3A_496 = vector.shape_cast %get3A_495 : vector<1x16xf32> to vector<16xf32>
      %gt3A_497 = arith.cmpf ogt, %get3A_496, %scan3A_392 : vector<16xf32>
      %select_n3A_498 = arith.select %gt3A_497, %get3A_496, %scan3A_392 : vector<16xi1>, vector<16xf32>
      %select_n3A_499 = arith.select %gt3A_497, %scan3A_416, %scan3A_408 : vector<16xi1>, vector<16xi32>
      %add3A_500 = arith.constant 1 : i32
      %add3A_501 = arith.addi %multiple_of3A_419, %add3A_500 : i32
      %get3A_502 = arith.index_cast %add3A_501 : i32 to index
      %get3A_503 = arith.constant 16 : index
      %get3A_504 = tpu.vector_load %arg5[%get3A_502, %get3A_503] {strides = array<i32>} : memref<368x128xf32, #tpu.memory_space<vmem>>, vector<1x16xf32>,
      %get3A_505 = vector.shape_cast %get3A_504 : vector<1x16xf32> to vector<16xf32>
      %gt3A_506 = arith.cmpf ogt, %get3A_505, %scan3A_393 : vector<16xf32>
      %select_n3A_507 = arith.select %gt3A_506, %get3A_505, %scan3A_393 : vector<16xi1>, vector<16xf32>
      %select_n3A_508 = arith.select %gt3A_506, %scan3A_416, %scan3A_409 : vector<16xi1>, vector<16xi32>
      %add3A_509 = arith.constant 1 : i32
      %add3A_510 = arith.addi %multiple_of3A_419, %add3A_509 : i32
      %get3A_511 = arith.index_cast %add3A_510 : i32 to index
      %get3A_512 = arith.constant 32 : index
      %get3A_513 = tpu.vector_load %arg5[%get3A_511, %get3A_512] {strides = array<i32>} : memref<368x128xf32, #tpu.memory_space<vmem>>, vector<1x16xf32>,
      %get3A_514 = vector.shape_cast %get3A_513 : vector<1x16xf32> to vector<16xf32>
      %gt3A_515 = arith.cmpf ogt, %get3A_514, %scan3A_394 : vector<16xf32>
      %select_n3A_516 = arith.select %gt3A_515, %get3A_514, %scan3A_394 : vector<16xi1>, vector<16xf32>
      %select_n3A_517 = arith.select %gt3A_515, %scan3A_416, %scan3A_410 : vector<16xi1>, vector<16xi32>
      %add3A_518 = arith.constant 1 : i32
      %add3A_519 = arith.addi %multiple_of3A_419, %add3A_518 : i32
      %get3A_520 = arith.index_cast %add3A_519 : i32 to index
      %get3A_521 = arith.constant 48 : index
      %get3A_522 = tpu.vector_load %arg5[%get3A_520, %get3A_521] {strides = array<i32>} : memref<368x128xf32, #tpu.memory_space<vmem>>, vector<1x16xf32>,
      %get3A_523 = vector.shape_cast %get3A_522 : vector<1x16xf32> to vector<16xf32>
      %gt3A_524 = arith.cmpf ogt, %get3A_523, %scan3A_395 : vector<16xf32>
      %select_n3A_525 = arith.select %gt3A_524, %get3A_523, %scan3A_395 : vector<16xi1>, vector<16xf32>
      %select_n3A_526 = arith.select %gt3A_524, %scan3A_416, %scan3A_411 : vector<16xi1>, vector<16xi32>
      %add3A_527 = arith.constant 1 : i32
      %add3A_528 = arith.addi %multiple_of3A_419, %add3A_527 : i32
      %get3A_529 = arith.index_cast %add3A_528 : i32 to index
      %get3A_530 = arith.constant 64 : index
      %get3A_531 = tpu.vector_load %arg5[%get3A_529, %get3A_530] {strides = array<i32>} : memref<368x128xf32, #tpu.memory_space<vmem>>, vector<1x16xf32>,
      %get3A_532 = vector.shape_cast %get3A_531 : vector<1x16xf32> to vector<16xf32>
      %gt3A_533 = arith.cmpf ogt, %get3A_532, %scan3A_396 : vector<16xf32>
      %select_n3A_534 = arith.select %gt3A_533, %get3A_532, %scan3A_396 : vector<16xi1>, vector<16xf32>
      %select_n3A_535 = arith.select %gt3A_533, %scan3A_416, %scan3A_412 : vector<16xi1>, vector<16xi32>
      %add3A_536 = arith.constant 1 : i32
      %add3A_537 = arith.addi %multiple_of3A_419, %add3A_536 : i32
      %get3A_538 = arith.index_cast %add3A_537 : i32 to index
      %get3A_539 = arith.constant 80 : index
      %get3A_540 = tpu.vector_load %arg5[%get3A_538, %get3A_539] {strides = array<i32>} : memref<368x128xf32, #tpu.memory_space<vmem>>, vector<1x16xf32>,
      %get3A_541 = vector.shape_cast %get3A_540 : vector<1x16xf32> to vector<16xf32>
      %gt3A_542 = arith.cmpf ogt, %get3A_541, %scan3A_397 : vector<16xf32>
      %select_n3A_543 = arith.select %gt3A_542, %get3A_541, %scan3A_397 : vector<16xi1>, vector<16xf32>
      %select_n3A_544 = arith.select %gt3A_542, %scan3A_416, %scan3A_413 : vector<16xi1>, vector<16xi32>
      %add3A_545 = arith.constant 1 : i32
      %add3A_546 = arith.addi %multiple_of3A_419, %add3A_545 : i32
      %get3A_547 = arith.index_cast %add3A_546 : i32 to index
      %get3A_548 = arith.constant 96 : index
      %get3A_549 = tpu.vector_load %arg5[%get3A_547, %get3A_548] {strides = array<i32>} : memref<368x128xf32, #tpu.memory_space<vmem>>, vector<1x16xf32>,
      %get3A_550 = vector.shape_cast %get3A_549 : vector<1x16xf32> to vector<16xf32>
      %gt3A_551 = arith.cmpf ogt, %get3A_550, %scan3A_398 : vector<16xf32>
      %select_n3A_552 = arith.select %gt3A_551, %get3A_550, %scan3A_398 : vector<16xi1>, vector<16xf32>
      %select_n3A_553 = arith.select %gt3A_551, %scan3A_416, %scan3A_414 : vector<16xi1>, vector<16xi32>
      %add3A_554 = arith.constant 1 : i32
      %add3A_555 = arith.addi %multiple_of3A_419, %add3A_554 : i32
      %get3A_556 = arith.index_cast %add3A_555 : i32 to index
      %get3A_557 = arith.constant 112 : index
      %get3A_558 = tpu.vector_load %arg5[%get3A_556, %get3A_557] {strides = array<i32>} : memref<368x128xf32, #tpu.memory_space<vmem>>, vector<1x16xf32>,
      %get3A_559 = vector.shape_cast %get3A_558 : vector<1x16xf32> to vector<16xf32>
      %gt3A_560 = arith.cmpf ogt, %get3A_559, %scan3A_399 : vector<16xf32>
      %select_n3A_561 = arith.select %gt3A_560, %get3A_559, %scan3A_399 : vector<16xi1>, vector<16xf32>
      %select_n3A_562 = arith.select %gt3A_560, %scan3A_416, %scan3A_415 : vector<16xi1>, vector<16xi32>
      %add3A_563 = arith.constant 1 : i32
      %add3A_564 = vector.broadcast %add3A_563 : i32 to vector<16xi32>
      %add3A_565 = arith.addi %scan3A_416, %add3A_564 : vector<16xi32>
      scf.yield %select_n3A_426, %select_n3A_435, %select_n3A_444, %select_n3A_453, %select_n3A_462, %select_n3A_471, %select_n3A_480, %select_n3A_489, %select_n3A_498, %select_n3A_507, %select_n3A_516, %select_n3A_525, %select_n3A_534, %select_n3A_543, %select_n3A_552, %select_n3A_561, %select_n3A_427, %select_n3A_436, %select_n3A_445, %select_n3A_454, %select_n3A_463, %select_n3A_472, %select_n3A_481, %select_n3A_490, %select_n3A_499, %select_n3A_508, %select_n3A_517, %select_n3A_526, %select_n3A_535, %select_n3A_544, %select_n3A_553, %select_n3A_562, %add3A_565 : vector<16xf32>, vector<16xf32>, vector<16xf32>, vector<16xf32>, vector<16xf32>, vector<16xf32>, vector<16xf32>, vector<16xf32>, vector<16xf32>, vector<16xf32>, vector<16xf32>, vector<16xf32>, vector<16xf32>, vector<16xf32>, vector<16xf32>, vector<16xf32>, vector<16xi32>, vector<16xi32>, vector<16xi32>, vector<16xi32>, vector<16xi32>, vector<16xi32>, vector<16xi32>, vector<16xi32>, vector<16xi32>, vector<16xi32>, vector<16xi32>, vector<16xi32>, vector<16xi32>, vector<16xi32>, vector<16xi32>, vector<16xi32>, vector<16xi32>
    }
    %scan3A_43 = arith.constant 184 : i32
    %add3A_44 = arith.constant 1104 : i32
    %add3A_45 = arith.addi %multiple_of3A, %add3A_44 : i32
    %multiple_of3A_46 = tpu.assume_multiple %add3A_45, 8 : i32
    %dma_start3A_47 = arith.constant 0 : i32
    %dma_start3A_48 = tpu.memref_slice %arg2[%multiple_of3A_46, %dma_start3A_47] : memref<100000x128xf32, #tpu.memory_space<hbm>> -> memref<368x128xf32, #tpu.memory_space<hbm>>
    %dma_start3A_49 = arith.constant 0 : i32
    %dma_start3A_50 = tpu.memref_slice %arg2[%multiple_of3A_46, %dma_start3A_49] : memref<100000x128xf32, #tpu.memory_space<hbm>> -> memref<368x128xf32, #tpu.memory_space<hbm>>
    tpu.enqueue_dma source(%dma_start3A_50 : memref<368x128xf32, #tpu.memory_space<hbm>>) target(%arg5 : memref<368x128xf32, #tpu.memory_space<vmem>>) target_semaphore(%arg8 : memref<!tpu.dma_semaphore, #tpu.memory_space<semaphore_mem>>)
    %dma_wait3A_51 = arith.constant 0 : i32
    %dma_wait3A_52 = tpu.memref_slice %arg2[%multiple_of3A_29, %dma_wait3A_51] : memref<100000x128xf32, #tpu.memory_space<hbm>> -> memref<368x128xf32, #tpu.memory_space<hbm>>
    %dma_wait3A_53 = arith.constant 0 : i32
    %dma_wait3A_54 = tpu.memref_slice %arg2[%multiple_of3A_29, %dma_wait3A_53] : memref<100000x128xf32, #tpu.memory_space<hbm>> -> memref<368x128xf32, #tpu.memory_space<hbm>>
    tpu.wait_dma2 semaphore(%arg7 : memref<!tpu.dma_semaphore, #tpu.memory_space<semaphore_mem>>) src(%dma_wait3A_54 : memref<368x128xf32, #tpu.memory_space<hbm>>) dst(%arg4 : memref<368x128xf32, #tpu.memory_space<vmem>>)
    %scan3A_55 = arith.constant 0 : i32
    %scan3A_56 = arith.constant 184 : i32
    %scan3A_57 = arith.addi %scan3A_55, %scan3A_56 : i32
    %scan3A_58 = arith.constant 1 : i32
    %scan3A_59:33 = scf.for %scan3A_383 = %scan3A_55 to %scan3A_57 step %scan3A_58 iter_args(%scan3A_384 = %scan3A_42#0, %scan3A_385 = %scan3A_42#1, %scan3A_386 = %scan3A_42#2, %scan3A_387 = %scan3A_42#3, %scan3A_388 = %scan3A_42#4, %scan3A_389 = %scan3A_42#5, %scan3A_390 = %scan3A_42#6, %scan3A_391 = %scan3A_42#7, %scan3A_392 = %scan3A_42#8, %scan3A_393 = %scan3A_42#9, %scan3A_394 = %scan3A_42#10, %scan3A_395 = %scan3A_42#11, %scan3A_396 = %scan3A_42#12, %scan3A_397 = %scan3A_42#13, %scan3A_398 = %scan3A_42#14, %scan3A_399 = %scan3A_42#15, %scan3A_400 = %scan3A_42#16, %scan3A_401 = %scan3A_42#17, %scan3A_402 = %scan3A_42#18, %scan3A_403 = %scan3A_42#19, %scan3A_404 = %scan3A_42#20, %scan3A_405 = %scan3A_42#21, %scan3A_406 = %scan3A_42#22, %scan3A_407 = %scan3A_42#23, %scan3A_408 = %scan3A_42#24, %scan3A_409 = %scan3A_42#25, %scan3A_410 = %scan3A_42#26, %scan3A_411 = %scan3A_42#27, %scan3A_412 = %scan3A_42#28, %scan3A_413 = %scan3A_42#29, %scan3A_414 = %scan3A_42#30, %scan3A_415 = %scan3A_42#31, %scan3A_416 = %scan3A_42#32) -> (vector<16xf32>, vector<16xf32>, vector<16xf32>, vector<16xf32>, vector<16xf32>, vector<16xf32>, vector<16xf32>, vector<16xf32>, vector<16xf32>, vector<16xf32>, vector<16xf32>, vector<16xf32>, vector<16xf32>, vector<16xf32>, vector<16xf32>, vector<16xf32>, vector<16xi32>, vector<16xi32>, vector<16xi32>, vector<16xi32>, vector<16xi32>, vector<16xi32>, vector<16xi32>, vector<16xi32>, vector<16xi32>, vector<16xi32>, vector<16xi32>, vector<16xi32>, vector<16xi32>, vector<16xi32>, vector<16xi32>, vector<16xi32>, vector<16xi32>)  : i32 {
      %mul3A_417 = arith.constant 2 : i32
      %mul3A_418 = arith.muli %scan3A_383, %mul3A_417 : i32
      %multiple_of3A_419 = tpu.assume_multiple %mul3A_418, 2 : i32
      %add3A_420 = arith.constant 0 : i32
      %add3A_421 = arith.addi %multiple_of3A_419, %add3A_420 : i32
      %get3A = arith.index_cast %add3A_421 : i32 to index
      %get3A_422 = arith.constant 0 : index
      %get3A_423 = tpu.vector_load %arg4[%get3A, %get3A_422] {strides = array<i32>} : memref<368x128xf32, #tpu.memory_space<vmem>>, vector<1x16xf32>,
      %get3A_424 = vector.shape_cast %get3A_423 : vector<1x16xf32> to vector<16xf32>
      %gt3A_425 = arith.cmpf ogt, %get3A_424, %scan3A_384 : vector<16xf32>
      %select_n3A_426 = arith.select %gt3A_425, %get3A_424, %scan3A_384 : vector<16xi1>, vector<16xf32>
      %select_n3A_427 = arith.select %gt3A_425, %scan3A_416, %scan3A_400 : vector<16xi1>, vector<16xi32>
      %add3A_428 = arith.constant 0 : i32
      %add3A_429 = arith.addi %multiple_of3A_419, %add3A_428 : i32
      %get3A_430 = arith.index_cast %add3A_429 : i32 to index
      %get3A_431 = arith.constant 16 : index
      %get3A_432 = tpu.vector_load %arg4[%get3A_430, %get3A_431] {strides = array<i32>} : memref<368x128xf32, #tpu.memory_space<vmem>>, vector<1x16xf32>,
      %get3A_433 = vector.shape_cast %get3A_432 : vector<1x16xf32> to vector<16xf32>
      %gt3A_434 = arith.cmpf ogt, %get3A_433, %scan3A_385 : vector<16xf32>
      %select_n3A_435 = arith.select %gt3A_434, %get3A_433, %scan3A_385 : vector<16xi1>, vector<16xf32>
      %select_n3A_436 = arith.select %gt3A_434, %scan3A_416, %scan3A_401 : vector<16xi1>, vector<16xi32>
      %add3A_437 = arith.constant 0 : i32
      %add3A_438 = arith.addi %multiple_of3A_419, %add3A_437 : i32
      %get3A_439 = arith.index_cast %add3A_438 : i32 to index
      %get3A_440 = arith.constant 32 : index
      %get3A_441 = tpu.vector_load %arg4[%get3A_439, %get3A_440] {strides = array<i32>} : memref<368x128xf32, #tpu.memory_space<vmem>>, vector<1x16xf32>,
      %get3A_442 = vector.shape_cast %get3A_441 : vector<1x16xf32> to vector<16xf32>
      %gt3A_443 = arith.cmpf ogt, %get3A_442, %scan3A_386 : vector<16xf32>
      %select_n3A_444 = arith.select %gt3A_443, %get3A_442, %scan3A_386 : vector<16xi1>, vector<16xf32>
      %select_n3A_445 = arith.select %gt3A_443, %scan3A_416, %scan3A_402 : vector<16xi1>, vector<16xi32>
      %add3A_446 = arith.constant 0 : i32
      %add3A_447 = arith.addi %multiple_of3A_419, %add3A_446 : i32
      %get3A_448 = arith.index_cast %add3A_447 : i32 to index
      %get3A_449 = arith.constant 48 : index
      %get3A_450 = tpu.vector_load %arg4[%get3A_448, %get3A_449] {strides = array<i32>} : memref<368x128xf32, #tpu.memory_space<vmem>>, vector<1x16xf32>,
      %get3A_451 = vector.shape_cast %get3A_450 : vector<1x16xf32> to vector<16xf32>
      %gt3A_452 = arith.cmpf ogt, %get3A_451, %scan3A_387 : vector<16xf32>
      %select_n3A_453 = arith.select %gt3A_452, %get3A_451, %scan3A_387 : vector<16xi1>, vector<16xf32>
      %select_n3A_454 = arith.select %gt3A_452, %scan3A_416, %scan3A_403 : vector<16xi1>, vector<16xi32>
      %add3A_455 = arith.constant 0 : i32
      %add3A_456 = arith.addi %multiple_of3A_419, %add3A_455 : i32
      %get3A_457 = arith.index_cast %add3A_456 : i32 to index
      %get3A_458 = arith.constant 64 : index
      %get3A_459 = tpu.vector_load %arg4[%get3A_457, %get3A_458] {strides = array<i32>} : memref<368x128xf32, #tpu.memory_space<vmem>>, vector<1x16xf32>,
      %get3A_460 = vector.shape_cast %get3A_459 : vector<1x16xf32> to vector<16xf32>
      %gt3A_461 = arith.cmpf ogt, %get3A_460, %scan3A_388 : vector<16xf32>
      %select_n3A_462 = arith.select %gt3A_461, %get3A_460, %scan3A_388 : vector<16xi1>, vector<16xf32>
      %select_n3A_463 = arith.select %gt3A_461, %scan3A_416, %scan3A_404 : vector<16xi1>, vector<16xi32>
      %add3A_464 = arith.constant 0 : i32
      %add3A_465 = arith.addi %multiple_of3A_419, %add3A_464 : i32
      %get3A_466 = arith.index_cast %add3A_465 : i32 to index
      %get3A_467 = arith.constant 80 : index
      %get3A_468 = tpu.vector_load %arg4[%get3A_466, %get3A_467] {strides = array<i32>} : memref<368x128xf32, #tpu.memory_space<vmem>>, vector<1x16xf32>,
      %get3A_469 = vector.shape_cast %get3A_468 : vector<1x16xf32> to vector<16xf32>
      %gt3A_470 = arith.cmpf ogt, %get3A_469, %scan3A_389 : vector<16xf32>
      %select_n3A_471 = arith.select %gt3A_470, %get3A_469, %scan3A_389 : vector<16xi1>, vector<16xf32>
      %select_n3A_472 = arith.select %gt3A_470, %scan3A_416, %scan3A_405 : vector<16xi1>, vector<16xi32>
      %add3A_473 = arith.constant 0 : i32
      %add3A_474 = arith.addi %multiple_of3A_419, %add3A_473 : i32
      %get3A_475 = arith.index_cast %add3A_474 : i32 to index
      %get3A_476 = arith.constant 96 : index
      %get3A_477 = tpu.vector_load %arg4[%get3A_475, %get3A_476] {strides = array<i32>} : memref<368x128xf32, #tpu.memory_space<vmem>>, vector<1x16xf32>,
      %get3A_478 = vector.shape_cast %get3A_477 : vector<1x16xf32> to vector<16xf32>
      %gt3A_479 = arith.cmpf ogt, %get3A_478, %scan3A_390 : vector<16xf32>
      %select_n3A_480 = arith.select %gt3A_479, %get3A_478, %scan3A_390 : vector<16xi1>, vector<16xf32>
      %select_n3A_481 = arith.select %gt3A_479, %scan3A_416, %scan3A_406 : vector<16xi1>, vector<16xi32>
      %add3A_482 = arith.constant 0 : i32
      %add3A_483 = arith.addi %multiple_of3A_419, %add3A_482 : i32
      %get3A_484 = arith.index_cast %add3A_483 : i32 to index
      %get3A_485 = arith.constant 112 : index
      %get3A_486 = tpu.vector_load %arg4[%get3A_484, %get3A_485] {strides = array<i32>} : memref<368x128xf32, #tpu.memory_space<vmem>>, vector<1x16xf32>,
      %get3A_487 = vector.shape_cast %get3A_486 : vector<1x16xf32> to vector<16xf32>
      %gt3A_488 = arith.cmpf ogt, %get3A_487, %scan3A_391 : vector<16xf32>
      %select_n3A_489 = arith.select %gt3A_488, %get3A_487, %scan3A_391 : vector<16xi1>, vector<16xf32>
      %select_n3A_490 = arith.select %gt3A_488, %scan3A_416, %scan3A_407 : vector<16xi1>, vector<16xi32>
      %add3A_491 = arith.constant 1 : i32
      %add3A_492 = arith.addi %multiple_of3A_419, %add3A_491 : i32
      %get3A_493 = arith.index_cast %add3A_492 : i32 to index
      %get3A_494 = arith.constant 0 : index
      %get3A_495 = tpu.vector_load %arg4[%get3A_493, %get3A_494] {strides = array<i32>} : memref<368x128xf32, #tpu.memory_space<vmem>>, vector<1x16xf32>,
      %get3A_496 = vector.shape_cast %get3A_495 : vector<1x16xf32> to vector<16xf32>
      %gt3A_497 = arith.cmpf ogt, %get3A_496, %scan3A_392 : vector<16xf32>
      %select_n3A_498 = arith.select %gt3A_497, %get3A_496, %scan3A_392 : vector<16xi1>, vector<16xf32>
      %select_n3A_499 = arith.select %gt3A_497, %scan3A_416, %scan3A_408 : vector<16xi1>, vector<16xi32>
      %add3A_500 = arith.constant 1 : i32
      %add3A_501 = arith.addi %multiple_of3A_419, %add3A_500 : i32
      %get3A_502 = arith.index_cast %add3A_501 : i32 to index
      %get3A_503 = arith.constant 16 : index
      %get3A_504 = tpu.vector_load %arg4[%get3A_502, %get3A_503] {strides = array<i32>} : memref<368x128xf32, #tpu.memory_space<vmem>>, vector<1x16xf32>,
      %get3A_505 = vector.shape_cast %get3A_504 : vector<1x16xf32> to vector<16xf32>
      %gt3A_506 = arith.cmpf ogt, %get3A_505, %scan3A_393 : vector<16xf32>
      %select_n3A_507 = arith.select %gt3A_506, %get3A_505, %scan3A_393 : vector<16xi1>, vector<16xf32>
      %select_n3A_508 = arith.select %gt3A_506, %scan3A_416, %scan3A_409 : vector<16xi1>, vector<16xi32>
      %add3A_509 = arith.constant 1 : i32
      %add3A_510 = arith.addi %multiple_of3A_419, %add3A_509 : i32
      %get3A_511 = arith.index_cast %add3A_510 : i32 to index
      %get3A_512 = arith.constant 32 : index
      %get3A_513 = tpu.vector_load %arg4[%get3A_511, %get3A_512] {strides = array<i32>} : memref<368x128xf32, #tpu.memory_space<vmem>>, vector<1x16xf32>,
      %get3A_514 = vector.shape_cast %get3A_513 : vector<1x16xf32> to vector<16xf32>
      %gt3A_515 = arith.cmpf ogt, %get3A_514, %scan3A_394 : vector<16xf32>
      %select_n3A_516 = arith.select %gt3A_515, %get3A_514, %scan3A_394 : vector<16xi1>, vector<16xf32>
      %select_n3A_517 = arith.select %gt3A_515, %scan3A_416, %scan3A_410 : vector<16xi1>, vector<16xi32>
      %add3A_518 = arith.constant 1 : i32
      %add3A_519 = arith.addi %multiple_of3A_419, %add3A_518 : i32
      %get3A_520 = arith.index_cast %add3A_519 : i32 to index
      %get3A_521 = arith.constant 48 : index
      %get3A_522 = tpu.vector_load %arg4[%get3A_520, %get3A_521] {strides = array<i32>} : memref<368x128xf32, #tpu.memory_space<vmem>>, vector<1x16xf32>,
      %get3A_523 = vector.shape_cast %get3A_522 : vector<1x16xf32> to vector<16xf32>
      %gt3A_524 = arith.cmpf ogt, %get3A_523, %scan3A_395 : vector<16xf32>
      %select_n3A_525 = arith.select %gt3A_524, %get3A_523, %scan3A_395 : vector<16xi1>, vector<16xf32>
      %select_n3A_526 = arith.select %gt3A_524, %scan3A_416, %scan3A_411 : vector<16xi1>, vector<16xi32>
      %add3A_527 = arith.constant 1 : i32
      %add3A_528 = arith.addi %multiple_of3A_419, %add3A_527 : i32
      %get3A_529 = arith.index_cast %add3A_528 : i32 to index
      %get3A_530 = arith.constant 64 : index
      %get3A_531 = tpu.vector_load %arg4[%get3A_529, %get3A_530] {strides = array<i32>} : memref<368x128xf32, #tpu.memory_space<vmem>>, vector<1x16xf32>,
      %get3A_532 = vector.shape_cast %get3A_531 : vector<1x16xf32> to vector<16xf32>
      %gt3A_533 = arith.cmpf ogt, %get3A_532, %scan3A_396 : vector<16xf32>
      %select_n3A_534 = arith.select %gt3A_533, %get3A_532, %scan3A_396 : vector<16xi1>, vector<16xf32>
      %select_n3A_535 = arith.select %gt3A_533, %scan3A_416, %scan3A_412 : vector<16xi1>, vector<16xi32>
      %add3A_536 = arith.constant 1 : i32
      %add3A_537 = arith.addi %multiple_of3A_419, %add3A_536 : i32
      %get3A_538 = arith.index_cast %add3A_537 : i32 to index
      %get3A_539 = arith.constant 80 : index
      %get3A_540 = tpu.vector_load %arg4[%get3A_538, %get3A_539] {strides = array<i32>} : memref<368x128xf32, #tpu.memory_space<vmem>>, vector<1x16xf32>,
      %get3A_541 = vector.shape_cast %get3A_540 : vector<1x16xf32> to vector<16xf32>
      %gt3A_542 = arith.cmpf ogt, %get3A_541, %scan3A_397 : vector<16xf32>
      %select_n3A_543 = arith.select %gt3A_542, %get3A_541, %scan3A_397 : vector<16xi1>, vector<16xf32>
      %select_n3A_544 = arith.select %gt3A_542, %scan3A_416, %scan3A_413 : vector<16xi1>, vector<16xi32>
      %add3A_545 = arith.constant 1 : i32
      %add3A_546 = arith.addi %multiple_of3A_419, %add3A_545 : i32
      %get3A_547 = arith.index_cast %add3A_546 : i32 to index
      %get3A_548 = arith.constant 96 : index
      %get3A_549 = tpu.vector_load %arg4[%get3A_547, %get3A_548] {strides = array<i32>} : memref<368x128xf32, #tpu.memory_space<vmem>>, vector<1x16xf32>,
      %get3A_550 = vector.shape_cast %get3A_549 : vector<1x16xf32> to vector<16xf32>
      %gt3A_551 = arith.cmpf ogt, %get3A_550, %scan3A_398 : vector<16xf32>
      %select_n3A_552 = arith.select %gt3A_551, %get3A_550, %scan3A_398 : vector<16xi1>, vector<16xf32>
      %select_n3A_553 = arith.select %gt3A_551, %scan3A_416, %scan3A_414 : vector<16xi1>, vector<16xi32>
      %add3A_554 = arith.constant 1 : i32
      %add3A_555 = arith.addi %multiple_of3A_419, %add3A_554 : i32
      %get3A_556 = arith.index_cast %add3A_555 : i32 to index
      %get3A_557 = arith.constant 112 : index
      %get3A_558 = tpu.vector_load %arg4[%get3A_556, %get3A_557] {strides = array<i32>} : memref<368x128xf32, #tpu.memory_space<vmem>>, vector<1x16xf32>,
      %get3A_559 = vector.shape_cast %get3A_558 : vector<1x16xf32> to vector<16xf32>
      %gt3A_560 = arith.cmpf ogt, %get3A_559, %scan3A_399 : vector<16xf32>
      %select_n3A_561 = arith.select %gt3A_560, %get3A_559, %scan3A_399 : vector<16xi1>, vector<16xf32>
      %select_n3A_562 = arith.select %gt3A_560, %scan3A_416, %scan3A_415 : vector<16xi1>, vector<16xi32>
      %add3A_563 = arith.constant 1 : i32
      %add3A_564 = vector.broadcast %add3A_563 : i32 to vector<16xi32>
      %add3A_565 = arith.addi %scan3A_416, %add3A_564 : vector<16xi32>
      scf.yield %select_n3A_426, %select_n3A_435, %select_n3A_444, %select_n3A_453, %select_n3A_462, %select_n3A_471, %select_n3A_480, %select_n3A_489, %select_n3A_498, %select_n3A_507, %select_n3A_516, %select_n3A_525, %select_n3A_534, %select_n3A_543, %select_n3A_552, %select_n3A_561, %select_n3A_427, %select_n3A_436, %select_n3A_445, %select_n3A_454, %select_n3A_463, %select_n3A_472, %select_n3A_481, %select_n3A_490, %select_n3A_499, %select_n3A_508, %select_n3A_517, %select_n3A_526, %select_n3A_535, %select_n3A_544, %select_n3A_553, %select_n3A_562, %add3A_565 : vector<16xf32>, vector<16xf32>, vector<16xf32>, vector<16xf32>, vector<16xf32>, vector<16xf32>, vector<16xf32>, vector<16xf32>, vector<16xf32>, vector<16xf32>, vector<16xf32>, vector<16xf32>, vector<16xf32>, vector<16xf32>, vector<16xf32>, vector<16xf32>, vector<16xi32>, vector<16xi32>, vector<16xi32>, vector<16xi32>, vector<16xi32>, vector<16xi32>, vector<16xi32>, vector<16xi32>, vector<16xi32>, vector<16xi32>, vector<16xi32>, vector<16xi32>, vector<16xi32>, vector<16xi32>, vector<16xi32>, vector<16xi32>, vector<16xi32>
    }
    %scan3A_60 = arith.constant 184 : i32
    %dma_wait3A_61 = arith.constant 0 : i32
    %dma_wait3A_62 = tpu.memref_slice %arg2[%multiple_of3A_46, %dma_wait3A_61] : memref<100000x128xf32, #tpu.memory_space<hbm>> -> memref<368x128xf32, #tpu.memory_space<hbm>>
    %dma_wait3A_63 = arith.constant 0 : i32
    %dma_wait3A_64 = tpu.memref_slice %arg2[%multiple_of3A_46, %dma_wait3A_63] : memref<100000x128xf32, #tpu.memory_space<hbm>> -> memref<368x128xf32, #tpu.memory_space<hbm>>
    tpu.wait_dma2 semaphore(%arg8 : memref<!tpu.dma_semaphore, #tpu.memory_space<semaphore_mem>>) src(%dma_wait3A_64 : memref<368x128xf32, #tpu.memory_space<hbm>>) dst(%arg5 : memref<368x128xf32, #tpu.memory_space<vmem>>)
    %scan3A_65 = arith.constant 0 : i32
    %scan3A_66 = arith.constant 184 : i32
    %scan3A_67 = arith.addi %scan3A_65, %scan3A_66 : i32
    %scan3A_68 = arith.constant 1 : i32
    %scan3A_69:33 = scf.for %scan3A_383 = %scan3A_65 to %scan3A_67 step %scan3A_68 iter_args(%scan3A_384 = %scan3A_59#0, %scan3A_385 = %scan3A_59#1, %scan3A_386 = %scan3A_59#2, %scan3A_387 = %scan3A_59#3, %scan3A_388 = %scan3A_59#4, %scan3A_389 = %scan3A_59#5, %scan3A_390 = %scan3A_59#6, %scan3A_391 = %scan3A_59#7, %scan3A_392 = %scan3A_59#8, %scan3A_393 = %scan3A_59#9, %scan3A_394 = %scan3A_59#10, %scan3A_395 = %scan3A_59#11, %scan3A_396 = %scan3A_59#12, %scan3A_397 = %scan3A_59#13, %scan3A_398 = %scan3A_59#14, %scan3A_399 = %scan3A_59#15, %scan3A_400 = %scan3A_59#16, %scan3A_401 = %scan3A_59#17, %scan3A_402 = %scan3A_59#18, %scan3A_403 = %scan3A_59#19, %scan3A_404 = %scan3A_59#20, %scan3A_405 = %scan3A_59#21, %scan3A_406 = %scan3A_59#22, %scan3A_407 = %scan3A_59#23, %scan3A_408 = %scan3A_59#24, %scan3A_409 = %scan3A_59#25, %scan3A_410 = %scan3A_59#26, %scan3A_411 = %scan3A_59#27, %scan3A_412 = %scan3A_59#28, %scan3A_413 = %scan3A_59#29, %scan3A_414 = %scan3A_59#30, %scan3A_415 = %scan3A_59#31, %scan3A_416 = %scan3A_59#32) -> (vector<16xf32>, vector<16xf32>, vector<16xf32>, vector<16xf32>, vector<16xf32>, vector<16xf32>, vector<16xf32>, vector<16xf32>, vector<16xf32>, vector<16xf32>, vector<16xf32>, vector<16xf32>, vector<16xf32>, vector<16xf32>, vector<16xf32>, vector<16xf32>, vector<16xi32>, vector<16xi32>, vector<16xi32>, vector<16xi32>, vector<16xi32>, vector<16xi32>, vector<16xi32>, vector<16xi32>, vector<16xi32>, vector<16xi32>, vector<16xi32>, vector<16xi32>, vector<16xi32>, vector<16xi32>, vector<16xi32>, vector<16xi32>, vector<16xi32>)  : i32 {
      %mul3A_417 = arith.constant 2 : i32
      %mul3A_418 = arith.muli %scan3A_383, %mul3A_417 : i32
      %multiple_of3A_419 = tpu.assume_multiple %mul3A_418, 2 : i32
      %add3A_420 = arith.constant 0 : i32
      %add3A_421 = arith.addi %multiple_of3A_419, %add3A_420 : i32
      %get3A = arith.index_cast %add3A_421 : i32 to index
      %get3A_422 = arith.constant 0 : index
      %get3A_423 = tpu.vector_load %arg5[%get3A, %get3A_422] {strides = array<i32>} : memref<368x128xf32, #tpu.memory_space<vmem>>, vector<1x16xf32>,
      %get3A_424 = vector.shape_cast %get3A_423 : vector<1x16xf32> to vector<16xf32>
      %gt3A_425 = arith.cmpf ogt, %get3A_424, %scan3A_384 : vector<16xf32>
      %select_n3A_426 = arith.select %gt3A_425, %get3A_424, %scan3A_384 : vector<16xi1>, vector<16xf32>
      %select_n3A_427 = arith.select %gt3A_425, %scan3A_416, %scan3A_400 : vector<16xi1>, vector<16xi32>
      %add3A_428 = arith.constant 0 : i32
      %add3A_429 = arith.addi %multiple_of3A_419, %add3A_428 : i32
      %get3A_430 = arith.index_cast %add3A_429 : i32 to index
      %get3A_431 = arith.constant 16 : index
      %get3A_432 = tpu.vector_load %arg5[%get3A_430, %get3A_431] {strides = array<i32>} : memref<368x128xf32, #tpu.memory_space<vmem>>, vector<1x16xf32>,
      %get3A_433 = vector.shape_cast %get3A_432 : vector<1x16xf32> to vector<16xf32>
      %gt3A_434 = arith.cmpf ogt, %get3A_433, %scan3A_385 : vector<16xf32>
      %select_n3A_435 = arith.select %gt3A_434, %get3A_433, %scan3A_385 : vector<16xi1>, vector<16xf32>
      %select_n3A_436 = arith.select %gt3A_434, %scan3A_416, %scan3A_401 : vector<16xi1>, vector<16xi32>
      %add3A_437 = arith.constant 0 : i32
      %add3A_438 = arith.addi %multiple_of3A_419, %add3A_437 : i32
      %get3A_439 = arith.index_cast %add3A_438 : i32 to index
      %get3A_440 = arith.constant 32 : index
      %get3A_441 = tpu.vector_load %arg5[%get3A_439, %get3A_440] {strides = array<i32>} : memref<368x128xf32, #tpu.memory_space<vmem>>, vector<1x16xf32>,
      %get3A_442 = vector.shape_cast %get3A_441 : vector<1x16xf32> to vector<16xf32>
      %gt3A_443 = arith.cmpf ogt, %get3A_442, %scan3A_386 : vector<16xf32>
      %select_n3A_444 = arith.select %gt3A_443, %get3A_442, %scan3A_386 : vector<16xi1>, vector<16xf32>
      %select_n3A_445 = arith.select %gt3A_443, %scan3A_416, %scan3A_402 : vector<16xi1>, vector<16xi32>
      %add3A_446 = arith.constant 0 : i32
      %add3A_447 = arith.addi %multiple_of3A_419, %add3A_446 : i32
      %get3A_448 = arith.index_cast %add3A_447 : i32 to index
      %get3A_449 = arith.constant 48 : index
      %get3A_450 = tpu.vector_load %arg5[%get3A_448, %get3A_449] {strides = array<i32>} : memref<368x128xf32, #tpu.memory_space<vmem>>, vector<1x16xf32>,
      %get3A_451 = vector.shape_cast %get3A_450 : vector<1x16xf32> to vector<16xf32>
      %gt3A_452 = arith.cmpf ogt, %get3A_451, %scan3A_387 : vector<16xf32>
      %select_n3A_453 = arith.select %gt3A_452, %get3A_451, %scan3A_387 : vector<16xi1>, vector<16xf32>
      %select_n3A_454 = arith.select %gt3A_452, %scan3A_416, %scan3A_403 : vector<16xi1>, vector<16xi32>
      %add3A_455 = arith.constant 0 : i32
      %add3A_456 = arith.addi %multiple_of3A_419, %add3A_455 : i32
      %get3A_457 = arith.index_cast %add3A_456 : i32 to index
      %get3A_458 = arith.constant 64 : index
      %get3A_459 = tpu.vector_load %arg5[%get3A_457, %get3A_458] {strides = array<i32>} : memref<368x128xf32, #tpu.memory_space<vmem>>, vector<1x16xf32>,
      %get3A_460 = vector.shape_cast %get3A_459 : vector<1x16xf32> to vector<16xf32>
      %gt3A_461 = arith.cmpf ogt, %get3A_460, %scan3A_388 : vector<16xf32>
      %select_n3A_462 = arith.select %gt3A_461, %get3A_460, %scan3A_388 : vector<16xi1>, vector<16xf32>
      %select_n3A_463 = arith.select %gt3A_461, %scan3A_416, %scan3A_404 : vector<16xi1>, vector<16xi32>
      %add3A_464 = arith.constant 0 : i32
      %add3A_465 = arith.addi %multiple_of3A_419, %add3A_464 : i32
      %get3A_466 = arith.index_cast %add3A_465 : i32 to index
      %get3A_467 = arith.constant 80 : index
      %get3A_468 = tpu.vector_load %arg5[%get3A_466, %get3A_467] {strides = array<i32>} : memref<368x128xf32, #tpu.memory_space<vmem>>, vector<1x16xf32>,
      %get3A_469 = vector.shape_cast %get3A_468 : vector<1x16xf32> to vector<16xf32>
      %gt3A_470 = arith.cmpf ogt, %get3A_469, %scan3A_389 : vector<16xf32>
      %select_n3A_471 = arith.select %gt3A_470, %get3A_469, %scan3A_389 : vector<16xi1>, vector<16xf32>
      %select_n3A_472 = arith.select %gt3A_470, %scan3A_416, %scan3A_405 : vector<16xi1>, vector<16xi32>
      %add3A_473 = arith.constant 0 : i32
      %add3A_474 = arith.addi %multiple_of3A_419, %add3A_473 : i32
      %get3A_475 = arith.index_cast %add3A_474 : i32 to index
      %get3A_476 = arith.constant 96 : index
      %get3A_477 = tpu.vector_load %arg5[%get3A_475, %get3A_476] {strides = array<i32>} : memref<368x128xf32, #tpu.memory_space<vmem>>, vector<1x16xf32>,
      %get3A_478 = vector.shape_cast %get3A_477 : vector<1x16xf32> to vector<16xf32>
      %gt3A_479 = arith.cmpf ogt, %get3A_478, %scan3A_390 : vector<16xf32>
      %select_n3A_480 = arith.select %gt3A_479, %get3A_478, %scan3A_390 : vector<16xi1>, vector<16xf32>
      %select_n3A_481 = arith.select %gt3A_479, %scan3A_416, %scan3A_406 : vector<16xi1>, vector<16xi32>
      %add3A_482 = arith.constant 0 : i32
      %add3A_483 = arith.addi %multiple_of3A_419, %add3A_482 : i32
      %get3A_484 = arith.index_cast %add3A_483 : i32 to index
      %get3A_485 = arith.constant 112 : index
      %get3A_486 = tpu.vector_load %arg5[%get3A_484, %get3A_485] {strides = array<i32>} : memref<368x128xf32, #tpu.memory_space<vmem>>, vector<1x16xf32>,
      %get3A_487 = vector.shape_cast %get3A_486 : vector<1x16xf32> to vector<16xf32>
      %gt3A_488 = arith.cmpf ogt, %get3A_487, %scan3A_391 : vector<16xf32>
      %select_n3A_489 = arith.select %gt3A_488, %get3A_487, %scan3A_391 : vector<16xi1>, vector<16xf32>
      %select_n3A_490 = arith.select %gt3A_488, %scan3A_416, %scan3A_407 : vector<16xi1>, vector<16xi32>
      %add3A_491 = arith.constant 1 : i32
      %add3A_492 = arith.addi %multiple_of3A_419, %add3A_491 : i32
      %get3A_493 = arith.index_cast %add3A_492 : i32 to index
      %get3A_494 = arith.constant 0 : index
      %get3A_495 = tpu.vector_load %arg5[%get3A_493, %get3A_494] {strides = array<i32>} : memref<368x128xf32, #tpu.memory_space<vmem>>, vector<1x16xf32>,
      %get3A_496 = vector.shape_cast %get3A_495 : vector<1x16xf32> to vector<16xf32>
      %gt3A_497 = arith.cmpf ogt, %get3A_496, %scan3A_392 : vector<16xf32>
      %select_n3A_498 = arith.select %gt3A_497, %get3A_496, %scan3A_392 : vector<16xi1>, vector<16xf32>
      %select_n3A_499 = arith.select %gt3A_497, %scan3A_416, %scan3A_408 : vector<16xi1>, vector<16xi32>
      %add3A_500 = arith.constant 1 : i32
      %add3A_501 = arith.addi %multiple_of3A_419, %add3A_500 : i32
      %get3A_502 = arith.index_cast %add3A_501 : i32 to index
      %get3A_503 = arith.constant 16 : index
      %get3A_504 = tpu.vector_load %arg5[%get3A_502, %get3A_503] {strides = array<i32>} : memref<368x128xf32, #tpu.memory_space<vmem>>, vector<1x16xf32>,
      %get3A_505 = vector.shape_cast %get3A_504 : vector<1x16xf32> to vector<16xf32>
      %gt3A_506 = arith.cmpf ogt, %get3A_505, %scan3A_393 : vector<16xf32>
      %select_n3A_507 = arith.select %gt3A_506, %get3A_505, %scan3A_393 : vector<16xi1>, vector<16xf32>
      %select_n3A_508 = arith.select %gt3A_506, %scan3A_416, %scan3A_409 : vector<16xi1>, vector<16xi32>
      %add3A_509 = arith.constant 1 : i32
      %add3A_510 = arith.addi %multiple_of3A_419, %add3A_509 : i32
      %get3A_511 = arith.index_cast %add3A_510 : i32 to index
      %get3A_512 = arith.constant 32 : index
      %get3A_513 = tpu.vector_load %arg5[%get3A_511, %get3A_512] {strides = array<i32>} : memref<368x128xf32, #tpu.memory_space<vmem>>, vector<1x16xf32>,
      %get3A_514 = vector.shape_cast %get3A_513 : vector<1x16xf32> to vector<16xf32>
      %gt3A_515 = arith.cmpf ogt, %get3A_514, %scan3A_394 : vector<16xf32>
      %select_n3A_516 = arith.select %gt3A_515, %get3A_514, %scan3A_394 : vector<16xi1>, vector<16xf32>
      %select_n3A_517 = arith.select %gt3A_515, %scan3A_416, %scan3A_410 : vector<16xi1>, vector<16xi32>
      %add3A_518 = arith.constant 1 : i32
      %add3A_519 = arith.addi %multiple_of3A_419, %add3A_518 : i32
      %get3A_520 = arith.index_cast %add3A_519 : i32 to index
      %get3A_521 = arith.constant 48 : index
      %get3A_522 = tpu.vector_load %arg5[%get3A_520, %get3A_521] {strides = array<i32>} : memref<368x128xf32, #tpu.memory_space<vmem>>, vector<1x16xf32>,
      %get3A_523 = vector.shape_cast %get3A_522 : vector<1x16xf32> to vector<16xf32>
      %gt3A_524 = arith.cmpf ogt, %get3A_523, %scan3A_395 : vector<16xf32>
      %select_n3A_525 = arith.select %gt3A_524, %get3A_523, %scan3A_395 : vector<16xi1>, vector<16xf32>
      %select_n3A_526 = arith.select %gt3A_524, %scan3A_416, %scan3A_411 : vector<16xi1>, vector<16xi32>
      %add3A_527 = arith.constant 1 : i32
      %add3A_528 = arith.addi %multiple_of3A_419, %add3A_527 : i32
      %get3A_529 = arith.index_cast %add3A_528 : i32 to index
      %get3A_530 = arith.constant 64 : index
      %get3A_531 = tpu.vector_load %arg5[%get3A_529, %get3A_530] {strides = array<i32>} : memref<368x128xf32, #tpu.memory_space<vmem>>, vector<1x16xf32>,
      %get3A_532 = vector.shape_cast %get3A_531 : vector<1x16xf32> to vector<16xf32>
      %gt3A_533 = arith.cmpf ogt, %get3A_532, %scan3A_396 : vector<16xf32>
      %select_n3A_534 = arith.select %gt3A_533, %get3A_532, %scan3A_396 : vector<16xi1>, vector<16xf32>
      %select_n3A_535 = arith.select %gt3A_533, %scan3A_416, %scan3A_412 : vector<16xi1>, vector<16xi32>
      %add3A_536 = arith.constant 1 : i32
      %add3A_537 = arith.addi %multiple_of3A_419, %add3A_536 : i32
      %get3A_538 = arith.index_cast %add3A_537 : i32 to index
      %get3A_539 = arith.constant 80 : index
      %get3A_540 = tpu.vector_load %arg5[%get3A_538, %get3A_539] {strides = array<i32>} : memref<368x128xf32, #tpu.memory_space<vmem>>, vector<1x16xf32>,
      %get3A_541 = vector.shape_cast %get3A_540 : vector<1x16xf32> to vector<16xf32>
      %gt3A_542 = arith.cmpf ogt, %get3A_541, %scan3A_397 : vector<16xf32>
      %select_n3A_543 = arith.select %gt3A_542, %get3A_541, %scan3A_397 : vector<16xi1>, vector<16xf32>
      %select_n3A_544 = arith.select %gt3A_542, %scan3A_416, %scan3A_413 : vector<16xi1>, vector<16xi32>
      %add3A_545 = arith.constant 1 : i32
      %add3A_546 = arith.addi %multiple_of3A_419, %add3A_545 : i32
      %get3A_547 = arith.index_cast %add3A_546 : i32 to index
      %get3A_548 = arith.constant 96 : index
      %get3A_549 = tpu.vector_load %arg5[%get3A_547, %get3A_548] {strides = array<i32>} : memref<368x128xf32, #tpu.memory_space<vmem>>, vector<1x16xf32>,
      %get3A_550 = vector.shape_cast %get3A_549 : vector<1x16xf32> to vector<16xf32>
      %gt3A_551 = arith.cmpf ogt, %get3A_550, %scan3A_398 : vector<16xf32>
      %select_n3A_552 = arith.select %gt3A_551, %get3A_550, %scan3A_398 : vector<16xi1>, vector<16xf32>
      %select_n3A_553 = arith.select %gt3A_551, %scan3A_416, %scan3A_414 : vector<16xi1>, vector<16xi32>
      %add3A_554 = arith.constant 1 : i32
      %add3A_555 = arith.addi %multiple_of3A_419, %add3A_554 : i32
      %get3A_556 = arith.index_cast %add3A_555 : i32 to index
      %get3A_557 = arith.constant 112 : index
      %get3A_558 = tpu.vector_load %arg5[%get3A_556, %get3A_557] {strides = array<i32>} : memref<368x128xf32, #tpu.memory_space<vmem>>, vector<1x16xf32>,
      %get3A_559 = vector.shape_cast %get3A_558 : vector<1x16xf32> to vector<16xf32>
      %gt3A_560 = arith.cmpf ogt, %get3A_559, %scan3A_399 : vector<16xf32>
      %select_n3A_561 = arith.select %gt3A_560, %get3A_559, %scan3A_399 : vector<16xi1>, vector<16xf32>
      %select_n3A_562 = arith.select %gt3A_560, %scan3A_416, %scan3A_415 : vector<16xi1>, vector<16xi32>
      %add3A_563 = arith.constant 1 : i32
      %add3A_564 = vector.broadcast %add3A_563 : i32 to vector<16xi32>
      %add3A_565 = arith.addi %scan3A_416, %add3A_564 : vector<16xi32>
      scf.yield %select_n3A_426, %select_n3A_435, %select_n3A_444, %select_n3A_453, %select_n3A_462, %select_n3A_471, %select_n3A_480, %select_n3A_489, %select_n3A_498, %select_n3A_507, %select_n3A_516, %select_n3A_525, %select_n3A_534, %select_n3A_543, %select_n3A_552, %select_n3A_561, %select_n3A_427, %select_n3A_436, %select_n3A_445, %select_n3A_454, %select_n3A_463, %select_n3A_472, %select_n3A_481, %select_n3A_490, %select_n3A_499, %select_n3A_508, %select_n3A_517, %select_n3A_526, %select_n3A_535, %select_n3A_544, %select_n3A_553, %select_n3A_562, %add3A_565 : vector<16xf32>, vector<16xf32>, vector<16xf32>, vector<16xf32>, vector<16xf32>, vector<16xf32>, vector<16xf32>, vector<16xf32>, vector<16xf32>, vector<16xf32>, vector<16xf32>, vector<16xf32>, vector<16xf32>, vector<16xf32>, vector<16xf32>, vector<16xf32>, vector<16xi32>, vector<16xi32>, vector<16xi32>, vector<16xi32>, vector<16xi32>, vector<16xi32>, vector<16xi32>, vector<16xi32>, vector<16xi32>, vector<16xi32>, vector<16xi32>, vector<16xi32>, vector<16xi32>, vector<16xi32>, vector<16xi32>, vector<16xi32>, vector<16xi32>
    }
    %scan3A_70 = arith.constant 184 : i32
    %mul3A_71 = arith.constant 2 : i32
    %mul3A_72 = vector.broadcast %mul3A_71 : i32 to vector<16xi32>
    %mul3A_73 = arith.muli %scan3A_69#16, %mul3A_72 : vector<16xi32>
    %add3A_74 = vector.broadcast %multiple_of3A : i32 to vector<16xi32>
    %add3A_75 = arith.addi %add3A_74, %mul3A_73 : vector<16xi32>
    %add3A_76 = arith.constant 0 : i32
    %add3A_77 = vector.broadcast %add3A_76 : i32 to vector<16xi32>
    %add3A_78 = arith.addi %add3A_75, %add3A_77 : vector<16xi32>
    %mul3A_79 = arith.constant 2 : i32
    %mul3A_80 = vector.broadcast %mul3A_79 : i32 to vector<16xi32>
    %mul3A_81 = arith.muli %scan3A_69#17, %mul3A_80 : vector<16xi32>
    %add3A_82 = vector.broadcast %multiple_of3A : i32 to vector<16xi32>
    %add3A_83 = arith.addi %add3A_82, %mul3A_81 : vector<16xi32>
    %add3A_84 = arith.constant 0 : i32
    %add3A_85 = vector.broadcast %add3A_84 : i32 to vector<16xi32>
    %add3A_86 = arith.addi %add3A_83, %add3A_85 : vector<16xi32>
    %mul3A_87 = arith.constant 2 : i32
    %mul3A_88 = vector.broadcast %mul3A_87 : i32 to vector<16xi32>
    %mul3A_89 = arith.muli %scan3A_69#18, %mul3A_88 : vector<16xi32>
    %add3A_90 = vector.broadcast %multiple_of3A : i32 to vector<16xi32>
    %add3A_91 = arith.addi %add3A_90, %mul3A_89 : vector<16xi32>
    %add3A_92 = arith.constant 0 : i32
    %add3A_93 = vector.broadcast %add3A_92 : i32 to vector<16xi32>
    %add3A_94 = arith.addi %add3A_91, %add3A_93 : vector<16xi32>
    %mul3A_95 = arith.constant 2 : i32
    %mul3A_96 = vector.broadcast %mul3A_95 : i32 to vector<16xi32>
    %mul3A_97 = arith.muli %scan3A_69#19, %mul3A_96 : vector<16xi32>
    %add3A_98 = vector.broadcast %multiple_of3A : i32 to vector<16xi32>
    %add3A_99 = arith.addi %add3A_98, %mul3A_97 : vector<16xi32>
    %add3A_100 = arith.constant 0 : i32
    %add3A_101 = vector.broadcast %add3A_100 : i32 to vector<16xi32>
    %add3A_102 = arith.addi %add3A_99, %add3A_101 : vector<16xi32>
    %mul3A_103 = arith.constant 2 : i32
    %mul3A_104 = vector.broadcast %mul3A_103 : i32 to vector<16xi32>
    %mul3A_105 = arith.muli %scan3A_69#20, %mul3A_104 : vector<16xi32>
    %add3A_106 = vector.broadcast %multiple_of3A : i32 to vector<16xi32>
    %add3A_107 = arith.addi %add3A_106, %mul3A_105 : vector<16xi32>
    %add3A_108 = arith.constant 0 : i32
    %add3A_109 = vector.broadcast %add3A_108 : i32 to vector<16xi32>
    %add3A_110 = arith.addi %add3A_107, %add3A_109 : vector<16xi32>
    %mul3A_111 = arith.constant 2 : i32
    %mul3A_112 = vector.broadcast %mul3A_111 : i32 to vector<16xi32>
    %mul3A_113 = arith.muli %scan3A_69#21, %mul3A_112 : vector<16xi32>
    %add3A_114 = vector.broadcast %multiple_of3A : i32 to vector<16xi32>
    %add3A_115 = arith.addi %add3A_114, %mul3A_113 : vector<16xi32>
    %add3A_116 = arith.constant 0 : i32
    %add3A_117 = vector.broadcast %add3A_116 : i32 to vector<16xi32>
    %add3A_118 = arith.addi %add3A_115, %add3A_117 : vector<16xi32>
    %mul3A_119 = arith.constant 2 : i32
    %mul3A_120 = vector.broadcast %mul3A_119 : i32 to vector<16xi32>
    %mul3A_121 = arith.muli %scan3A_69#22, %mul3A_120 : vector<16xi32>
    %add3A_122 = vector.broadcast %multiple_of3A : i32 to vector<16xi32>
    %add3A_123 = arith.addi %add3A_122, %mul3A_121 : vector<16xi32>
    %add3A_124 = arith.constant 0 : i32
    %add3A_125 = vector.broadcast %add3A_124 : i32 to vector<16xi32>
    %add3A_126 = arith.addi %add3A_123, %add3A_125 : vector<16xi32>
    %mul3A_127 = arith.constant 2 : i32
    %mul3A_128 = vector.broadcast %mul3A_127 : i32 to vector<16xi32>
    %mul3A_129 = arith.muli %scan3A_69#23, %mul3A_128 : vector<16xi32>
    %add3A_130 = vector.broadcast %multiple_of3A : i32 to vector<16xi32>
    %add3A_131 = arith.addi %add3A_130, %mul3A_129 : vector<16xi32>
    %add3A_132 = arith.constant 0 : i32
    %add3A_133 = vector.broadcast %add3A_132 : i32 to vector<16xi32>
    %add3A_134 = arith.addi %add3A_131, %add3A_133 : vector<16xi32>
    %mul3A_135 = arith.constant 2 : i32
    %mul3A_136 = vector.broadcast %mul3A_135 : i32 to vector<16xi32>
    %mul3A_137 = arith.muli %scan3A_69#24, %mul3A_136 : vector<16xi32>
    %add3A_138 = vector.broadcast %multiple_of3A : i32 to vector<16xi32>
    %add3A_139 = arith.addi %add3A_138, %mul3A_137 : vector<16xi32>
    %add3A_140 = arith.constant 1 : i32
    %add3A_141 = vector.broadcast %add3A_140 : i32 to vector<16xi32>
    %add3A_142 = arith.addi %add3A_139, %add3A_141 : vector<16xi32>
    %mul3A_143 = arith.constant 2 : i32
    %mul3A_144 = vector.broadcast %mul3A_143 : i32 to vector<16xi32>
    %mul3A_145 = arith.muli %scan3A_69#25, %mul3A_144 : vector<16xi32>
    %add3A_146 = vector.broadcast %multiple_of3A : i32 to vector<16xi32>
    %add3A_147 = arith.addi %add3A_146, %mul3A_145 : vector<16xi32>
    %add3A_148 = arith.constant 1 : i32
    %add3A_149 = vector.broadcast %add3A_148 : i32 to vector<16xi32>
    %add3A_150 = arith.addi %add3A_147, %add3A_149 : vector<16xi32>
    %mul3A_151 = arith.constant 2 : i32
    %mul3A_152 = vector.broadcast %mul3A_151 : i32 to vector<16xi32>
    %mul3A_153 = arith.muli %scan3A_69#26, %mul3A_152 : vector<16xi32>
    %add3A_154 = vector.broadcast %multiple_of3A : i32 to vector<16xi32>
    %add3A_155 = arith.addi %add3A_154, %mul3A_153 : vector<16xi32>
    %add3A_156 = arith.constant 1 : i32
    %add3A_157 = vector.broadcast %add3A_156 : i32 to vector<16xi32>
    %add3A_158 = arith.addi %add3A_155, %add3A_157 : vector<16xi32>
    %mul3A_159 = arith.constant 2 : i32
    %mul3A_160 = vector.broadcast %mul3A_159 : i32 to vector<16xi32>
    %mul3A_161 = arith.muli %scan3A_69#27, %mul3A_160 : vector<16xi32>
    %add3A_162 = vector.broadcast %multiple_of3A : i32 to vector<16xi32>
    %add3A_163 = arith.addi %add3A_162, %mul3A_161 : vector<16xi32>
    %add3A_164 = arith.constant 1 : i32
    %add3A_165 = vector.broadcast %add3A_164 : i32 to vector<16xi32>
    %add3A_166 = arith.addi %add3A_163, %add3A_165 : vector<16xi32>
    %mul3A_167 = arith.constant 2 : i32
    %mul3A_168 = vector.broadcast %mul3A_167 : i32 to vector<16xi32>
    %mul3A_169 = arith.muli %scan3A_69#28, %mul3A_168 : vector<16xi32>
    %add3A_170 = vector.broadcast %multiple_of3A : i32 to vector<16xi32>
    %add3A_171 = arith.addi %add3A_170, %mul3A_169 : vector<16xi32>
    %add3A_172 = arith.constant 1 : i32
    %add3A_173 = vector.broadcast %add3A_172 : i32 to vector<16xi32>
    %add3A_174 = arith.addi %add3A_171, %add3A_173 : vector<16xi32>
    %mul3A_175 = arith.constant 2 : i32
    %mul3A_176 = vector.broadcast %mul3A_175 : i32 to vector<16xi32>
    %mul3A_177 = arith.muli %scan3A_69#29, %mul3A_176 : vector<16xi32>
    %add3A_178 = vector.broadcast %multiple_of3A : i32 to vector<16xi32>
    %add3A_179 = arith.addi %add3A_178, %mul3A_177 : vector<16xi32>
    %add3A_180 = arith.constant 1 : i32
    %add3A_181 = vector.broadcast %add3A_180 : i32 to vector<16xi32>
    %add3A_182 = arith.addi %add3A_179, %add3A_181 : vector<16xi32>
    %mul3A_183 = arith.constant 2 : i32
    %mul3A_184 = vector.broadcast %mul3A_183 : i32 to vector<16xi32>
    %mul3A_185 = arith.muli %scan3A_69#30, %mul3A_184 : vector<16xi32>
    %add3A_186 = vector.broadcast %multiple_of3A : i32 to vector<16xi32>
    %add3A_187 = arith.addi %add3A_186, %mul3A_185 : vector<16xi32>
    %add3A_188 = arith.constant 1 : i32
    %add3A_189 = vector.broadcast %add3A_188 : i32 to vector<16xi32>
    %add3A_190 = arith.addi %add3A_187, %add3A_189 : vector<16xi32>
    %mul3A_191 = arith.constant 2 : i32
    %mul3A_192 = vector.broadcast %mul3A_191 : i32 to vector<16xi32>
    %mul3A_193 = arith.muli %scan3A_69#31, %mul3A_192 : vector<16xi32>
    %add3A_194 = vector.broadcast %multiple_of3A : i32 to vector<16xi32>
    %add3A_195 = arith.addi %add3A_194, %mul3A_193 : vector<16xi32>
    %add3A_196 = arith.constant 1 : i32
    %add3A_197 = vector.broadcast %add3A_196 : i32 to vector<16xi32>
    %add3A_198 = arith.addi %add3A_195, %add3A_197 : vector<16xi32>
    %gt3A = arith.cmpf ogt, %scan3A_69#8, %scan3A_69#0 : vector<16xf32>
    %eq3A = arith.cmpf oeq, %scan3A_69#8, %scan3A_69#0 : vector<16xf32>
    %lt3A = arith.cmpi slt, %add3A_142, %add3A_78 : vector<16xi32>
    %and3A = arith.andi %eq3A, %lt3A : vector<16xi1>
    %or3A = arith.ori %gt3A, %and3A : vector<16xi1>
    %select_n3A = arith.select %or3A, %scan3A_69#8, %scan3A_69#0 : vector<16xi1>, vector<16xf32>
    %select_n3A_199 = arith.select %or3A, %add3A_142, %add3A_78 : vector<16xi1>, vector<16xi32>
    %gt3A_200 = arith.cmpf ogt, %scan3A_69#9, %scan3A_69#1 : vector<16xf32>
    %eq3A_201 = arith.cmpf oeq, %scan3A_69#9, %scan3A_69#1 : vector<16xf32>
    %lt3A_202 = arith.cmpi slt, %add3A_150, %add3A_86 : vector<16xi32>
    %and3A_203 = arith.andi %eq3A_201, %lt3A_202 : vector<16xi1>
    %or3A_204 = arith.ori %gt3A_200, %and3A_203 : vector<16xi1>
    %select_n3A_205 = arith.select %or3A_204, %scan3A_69#9, %scan3A_69#1 : vector<16xi1>, vector<16xf32>
    %select_n3A_206 = arith.select %or3A_204, %add3A_150, %add3A_86 : vector<16xi1>, vector<16xi32>
    %gt3A_207 = arith.cmpf ogt, %scan3A_69#10, %scan3A_69#2 : vector<16xf32>
    %eq3A_208 = arith.cmpf oeq, %scan3A_69#10, %scan3A_69#2 : vector<16xf32>
    %lt3A_209 = arith.cmpi slt, %add3A_158, %add3A_94 : vector<16xi32>
    %and3A_210 = arith.andi %eq3A_208, %lt3A_209 : vector<16xi1>
    %or3A_211 = arith.ori %gt3A_207, %and3A_210 : vector<16xi1>
    %select_n3A_212 = arith.select %or3A_211, %scan3A_69#10, %scan3A_69#2 : vector<16xi1>, vector<16xf32>
    %select_n3A_213 = arith.select %or3A_211, %add3A_158, %add3A_94 : vector<16xi1>, vector<16xi32>
    %gt3A_214 = arith.cmpf ogt, %scan3A_69#11, %scan3A_69#3 : vector<16xf32>
    %eq3A_215 = arith.cmpf oeq, %scan3A_69#11, %scan3A_69#3 : vector<16xf32>
    %lt3A_216 = arith.cmpi slt, %add3A_166, %add3A_102 : vector<16xi32>
    %and3A_217 = arith.andi %eq3A_215, %lt3A_216 : vector<16xi1>
    %or3A_218 = arith.ori %gt3A_214, %and3A_217 : vector<16xi1>
    %select_n3A_219 = arith.select %or3A_218, %scan3A_69#11, %scan3A_69#3 : vector<16xi1>, vector<16xf32>
    %select_n3A_220 = arith.select %or3A_218, %add3A_166, %add3A_102 : vector<16xi1>, vector<16xi32>
    %gt3A_221 = arith.cmpf ogt, %scan3A_69#12, %scan3A_69#4 : vector<16xf32>
    %eq3A_222 = arith.cmpf oeq, %scan3A_69#12, %scan3A_69#4 : vector<16xf32>
    %lt3A_223 = arith.cmpi slt, %add3A_174, %add3A_110 : vector<16xi32>
    %and3A_224 = arith.andi %eq3A_222, %lt3A_223 : vector<16xi1>
    %or3A_225 = arith.ori %gt3A_221, %and3A_224 : vector<16xi1>
    %select_n3A_226 = arith.select %or3A_225, %scan3A_69#12, %scan3A_69#4 : vector<16xi1>, vector<16xf32>
    %select_n3A_227 = arith.select %or3A_225, %add3A_174, %add3A_110 : vector<16xi1>, vector<16xi32>
    %gt3A_228 = arith.cmpf ogt, %scan3A_69#13, %scan3A_69#5 : vector<16xf32>
    %eq3A_229 = arith.cmpf oeq, %scan3A_69#13, %scan3A_69#5 : vector<16xf32>
    %lt3A_230 = arith.cmpi slt, %add3A_182, %add3A_118 : vector<16xi32>
    %and3A_231 = arith.andi %eq3A_229, %lt3A_230 : vector<16xi1>
    %or3A_232 = arith.ori %gt3A_228, %and3A_231 : vector<16xi1>
    %select_n3A_233 = arith.select %or3A_232, %scan3A_69#13, %scan3A_69#5 : vector<16xi1>, vector<16xf32>
    %select_n3A_234 = arith.select %or3A_232, %add3A_182, %add3A_118 : vector<16xi1>, vector<16xi32>
    %gt3A_235 = arith.cmpf ogt, %scan3A_69#14, %scan3A_69#6 : vector<16xf32>
    %eq3A_236 = arith.cmpf oeq, %scan3A_69#14, %scan3A_69#6 : vector<16xf32>
    %lt3A_237 = arith.cmpi slt, %add3A_190, %add3A_126 : vector<16xi32>
    %and3A_238 = arith.andi %eq3A_236, %lt3A_237 : vector<16xi1>
    %or3A_239 = arith.ori %gt3A_235, %and3A_238 : vector<16xi1>
    %select_n3A_240 = arith.select %or3A_239, %scan3A_69#14, %scan3A_69#6 : vector<16xi1>, vector<16xf32>
    %select_n3A_241 = arith.select %or3A_239, %add3A_190, %add3A_126 : vector<16xi1>, vector<16xi32>
    %gt3A_242 = arith.cmpf ogt, %scan3A_69#15, %scan3A_69#7 : vector<16xf32>
    %eq3A_243 = arith.cmpf oeq, %scan3A_69#15, %scan3A_69#7 : vector<16xf32>
    %lt3A_244 = arith.cmpi slt, %add3A_198, %add3A_134 : vector<16xi32>
    %and3A_245 = arith.andi %eq3A_243, %lt3A_244 : vector<16xi1>
    %or3A_246 = arith.ori %gt3A_242, %and3A_245 : vector<16xi1>
    %select_n3A_247 = arith.select %or3A_246, %scan3A_69#15, %scan3A_69#7 : vector<16xi1>, vector<16xf32>
    %select_n3A_248 = arith.select %or3A_246, %add3A_198, %add3A_134 : vector<16xi1>, vector<16xi32>
    %swap3A = arith.constant 0 : i32
    %swap3A_249 = arith.constant 0 : i32
    %swap3A_250 = arith.index_cast %swap3A : i32 to index
    %swap3A_251 = arith.index_cast %swap3A_249 : i32 to index
    %swap3A_252 = arith.constant 0 : index
    %swap3A_253 = tpu.vector_load %arg6[%swap3A_250, %swap3A_251, %swap3A_252] {strides = array<i32>} : memref<2x8x16xf32, #tpu.memory_space<vmem>>, vector<1x1x16xf32>,
    %swap3A_254 = vector.shape_cast %swap3A_253 : vector<1x1x16xf32> to vector<16xf32>
    %swap3A_255 = vector.shape_cast %select_n3A : vector<16xf32> to vector<1x1x16xf32>
    tpu.vector_store %arg6[%swap3A_250, %swap3A_251, %swap3A_252], %swap3A_255 {strides = array<i32>} : memref<2x8x16xf32, #tpu.memory_space<vmem>>, vector<1x1x16xf32>,
    %convert_element_type3A = arith.sitofp %select_n3A_199 : vector<16xi32> to vector<16xf32>
    %swap3A_256 = arith.constant 1 : i32
    %swap3A_257 = arith.constant 0 : i32
    %swap3A_258 = arith.index_cast %swap3A_256 : i32 to index
    %swap3A_259 = arith.index_cast %swap3A_257 : i32 to index
    %swap3A_260 = arith.constant 0 : index
    %swap3A_261 = tpu.vector_load %arg6[%swap3A_258, %swap3A_259, %swap3A_260] {strides = array<i32>} : memref<2x8x16xf32, #tpu.memory_space<vmem>>, vector<1x1x16xf32>,
    %swap3A_262 = vector.shape_cast %swap3A_261 : vector<1x1x16xf32> to vector<16xf32>
    %swap3A_263 = vector.shape_cast %convert_element_type3A : vector<16xf32> to vector<1x1x16xf32>
    tpu.vector_store %arg6[%swap3A_258, %swap3A_259, %swap3A_260], %swap3A_263 {strides = array<i32>} : memref<2x8x16xf32, #tpu.memory_space<vmem>>, vector<1x1x16xf32>,
    %swap3A_264 = arith.constant 0 : i32
    %swap3A_265 = arith.constant 1 : i32
    %swap3A_266 = arith.index_cast %swap3A_264 : i32 to index
    %swap3A_267 = arith.index_cast %swap3A_265 : i32 to index
    %swap3A_268 = arith.constant 0 : index
    %swap3A_269 = tpu.vector_load %arg6[%swap3A_266, %swap3A_267, %swap3A_268] {strides = array<i32>} : memref<2x8x16xf32, #tpu.memory_space<vmem>>, vector<1x1x16xf32>,
    %swap3A_270 = vector.shape_cast %swap3A_269 : vector<1x1x16xf32> to vector<16xf32>
    %swap3A_271 = vector.shape_cast %select_n3A_205 : vector<16xf32> to vector<1x1x16xf32>
    tpu.vector_store %arg6[%swap3A_266, %swap3A_267, %swap3A_268], %swap3A_271 {strides = array<i32>} : memref<2x8x16xf32, #tpu.memory_space<vmem>>, vector<1x1x16xf32>,
    %convert_element_type3A_272 = arith.sitofp %select_n3A_206 : vector<16xi32> to vector<16xf32>
    %swap3A_273 = arith.constant 1 : i32
    %swap3A_274 = arith.constant 1 : i32
    %swap3A_275 = arith.index_cast %swap3A_273 : i32 to index
    %swap3A_276 = arith.index_cast %swap3A_274 : i32 to index
    %swap3A_277 = arith.constant 0 : index
    %swap3A_278 = tpu.vector_load %arg6[%swap3A_275, %swap3A_276, %swap3A_277] {strides = array<i32>} : memref<2x8x16xf32, #tpu.memory_space<vmem>>, vector<1x1x16xf32>,
    %swap3A_279 = vector.shape_cast %swap3A_278 : vector<1x1x16xf32> to vector<16xf32>
    %swap3A_280 = vector.shape_cast %convert_element_type3A_272 : vector<16xf32> to vector<1x1x16xf32>
    tpu.vector_store %arg6[%swap3A_275, %swap3A_276, %swap3A_277], %swap3A_280 {strides = array<i32>} : memref<2x8x16xf32, #tpu.memory_space<vmem>>, vector<1x1x16xf32>,
    %swap3A_281 = arith.constant 0 : i32
    %swap3A_282 = arith.constant 2 : i32
    %swap3A_283 = arith.index_cast %swap3A_281 : i32 to index
    %swap3A_284 = arith.index_cast %swap3A_282 : i32 to index
    %swap3A_285 = arith.constant 0 : index
    %swap3A_286 = tpu.vector_load %arg6[%swap3A_283, %swap3A_284, %swap3A_285] {strides = array<i32>} : memref<2x8x16xf32, #tpu.memory_space<vmem>>, vector<1x1x16xf32>,
    %swap3A_287 = vector.shape_cast %swap3A_286 : vector<1x1x16xf32> to vector<16xf32>
    %swap3A_288 = vector.shape_cast %select_n3A_212 : vector<16xf32> to vector<1x1x16xf32>
    tpu.vector_store %arg6[%swap3A_283, %swap3A_284, %swap3A_285], %swap3A_288 {strides = array<i32>} : memref<2x8x16xf32, #tpu.memory_space<vmem>>, vector<1x1x16xf32>,
    %convert_element_type3A_289 = arith.sitofp %select_n3A_213 : vector<16xi32> to vector<16xf32>
    %swap3A_290 = arith.constant 1 : i32
    %swap3A_291 = arith.constant 2 : i32
    %swap3A_292 = arith.index_cast %swap3A_290 : i32 to index
    %swap3A_293 = arith.index_cast %swap3A_291 : i32 to index
    %swap3A_294 = arith.constant 0 : index
    %swap3A_295 = tpu.vector_load %arg6[%swap3A_292, %swap3A_293, %swap3A_294] {strides = array<i32>} : memref<2x8x16xf32, #tpu.memory_space<vmem>>, vector<1x1x16xf32>,
    %swap3A_296 = vector.shape_cast %swap3A_295 : vector<1x1x16xf32> to vector<16xf32>
    %swap3A_297 = vector.shape_cast %convert_element_type3A_289 : vector<16xf32> to vector<1x1x16xf32>
    tpu.vector_store %arg6[%swap3A_292, %swap3A_293, %swap3A_294], %swap3A_297 {strides = array<i32>} : memref<2x8x16xf32, #tpu.memory_space<vmem>>, vector<1x1x16xf32>,
    %swap3A_298 = arith.constant 0 : i32
    %swap3A_299 = arith.constant 3 : i32
    %swap3A_300 = arith.index_cast %swap3A_298 : i32 to index
    %swap3A_301 = arith.index_cast %swap3A_299 : i32 to index
    %swap3A_302 = arith.constant 0 : index
    %swap3A_303 = tpu.vector_load %arg6[%swap3A_300, %swap3A_301, %swap3A_302] {strides = array<i32>} : memref<2x8x16xf32, #tpu.memory_space<vmem>>, vector<1x1x16xf32>,
    %swap3A_304 = vector.shape_cast %swap3A_303 : vector<1x1x16xf32> to vector<16xf32>
    %swap3A_305 = vector.shape_cast %select_n3A_219 : vector<16xf32> to vector<1x1x16xf32>
    tpu.vector_store %arg6[%swap3A_300, %swap3A_301, %swap3A_302], %swap3A_305 {strides = array<i32>} : memref<2x8x16xf32, #tpu.memory_space<vmem>>, vector<1x1x16xf32>,
    %convert_element_type3A_306 = arith.sitofp %select_n3A_220 : vector<16xi32> to vector<16xf32>
    %swap3A_307 = arith.constant 1 : i32
    %swap3A_308 = arith.constant 3 : i32
    %swap3A_309 = arith.index_cast %swap3A_307 : i32 to index
    %swap3A_310 = arith.index_cast %swap3A_308 : i32 to index
    %swap3A_311 = arith.constant 0 : index
    %swap3A_312 = tpu.vector_load %arg6[%swap3A_309, %swap3A_310, %swap3A_311] {strides = array<i32>} : memref<2x8x16xf32, #tpu.memory_space<vmem>>, vector<1x1x16xf32>,
    %swap3A_313 = vector.shape_cast %swap3A_312 : vector<1x1x16xf32> to vector<16xf32>
    %swap3A_314 = vector.shape_cast %convert_element_type3A_306 : vector<16xf32> to vector<1x1x16xf32>
    tpu.vector_store %arg6[%swap3A_309, %swap3A_310, %swap3A_311], %swap3A_314 {strides = array<i32>} : memref<2x8x16xf32, #tpu.memory_space<vmem>>, vector<1x1x16xf32>,
    %swap3A_315 = arith.constant 0 : i32
    %swap3A_316 = arith.constant 4 : i32
    %swap3A_317 = arith.index_cast %swap3A_315 : i32 to index
    %swap3A_318 = arith.index_cast %swap3A_316 : i32 to index
    %swap3A_319 = arith.constant 0 : index
    %swap3A_320 = tpu.vector_load %arg6[%swap3A_317, %swap3A_318, %swap3A_319] {strides = array<i32>} : memref<2x8x16xf32, #tpu.memory_space<vmem>>, vector<1x1x16xf32>,
    %swap3A_321 = vector.shape_cast %swap3A_320 : vector<1x1x16xf32> to vector<16xf32>
    %swap3A_322 = vector.shape_cast %select_n3A_226 : vector<16xf32> to vector<1x1x16xf32>
    tpu.vector_store %arg6[%swap3A_317, %swap3A_318, %swap3A_319], %swap3A_322 {strides = array<i32>} : memref<2x8x16xf32, #tpu.memory_space<vmem>>, vector<1x1x16xf32>,
    %convert_element_type3A_323 = arith.sitofp %select_n3A_227 : vector<16xi32> to vector<16xf32>
    %swap3A_324 = arith.constant 1 : i32
    %swap3A_325 = arith.constant 4 : i32
    %swap3A_326 = arith.index_cast %swap3A_324 : i32 to index
    %swap3A_327 = arith.index_cast %swap3A_325 : i32 to index
    %swap3A_328 = arith.constant 0 : index
    %swap3A_329 = tpu.vector_load %arg6[%swap3A_326, %swap3A_327, %swap3A_328] {strides = array<i32>} : memref<2x8x16xf32, #tpu.memory_space<vmem>>, vector<1x1x16xf32>,
    %swap3A_330 = vector.shape_cast %swap3A_329 : vector<1x1x16xf32> to vector<16xf32>
    %swap3A_331 = vector.shape_cast %convert_element_type3A_323 : vector<16xf32> to vector<1x1x16xf32>
    tpu.vector_store %arg6[%swap3A_326, %swap3A_327, %swap3A_328], %swap3A_331 {strides = array<i32>} : memref<2x8x16xf32, #tpu.memory_space<vmem>>, vector<1x1x16xf32>,
    %swap3A_332 = arith.constant 0 : i32
    %swap3A_333 = arith.constant 5 : i32
    %swap3A_334 = arith.index_cast %swap3A_332 : i32 to index
    %swap3A_335 = arith.index_cast %swap3A_333 : i32 to index
    %swap3A_336 = arith.constant 0 : index
    %swap3A_337 = tpu.vector_load %arg6[%swap3A_334, %swap3A_335, %swap3A_336] {strides = array<i32>} : memref<2x8x16xf32, #tpu.memory_space<vmem>>, vector<1x1x16xf32>,
    %swap3A_338 = vector.shape_cast %swap3A_337 : vector<1x1x16xf32> to vector<16xf32>
    %swap3A_339 = vector.shape_cast %select_n3A_233 : vector<16xf32> to vector<1x1x16xf32>
    tpu.vector_store %arg6[%swap3A_334, %swap3A_335, %swap3A_336], %swap3A_339 {strides = array<i32>} : memref<2x8x16xf32, #tpu.memory_space<vmem>>, vector<1x1x16xf32>,
    %convert_element_type3A_340 = arith.sitofp %select_n3A_234 : vector<16xi32> to vector<16xf32>
    %swap3A_341 = arith.constant 1 : i32
    %swap3A_342 = arith.constant 5 : i32
    %swap3A_343 = arith.index_cast %swap3A_341 : i32 to index
    %swap3A_344 = arith.index_cast %swap3A_342 : i32 to index
    %swap3A_345 = arith.constant 0 : index
    %swap3A_346 = tpu.vector_load %arg6[%swap3A_343, %swap3A_344, %swap3A_345] {strides = array<i32>} : memref<2x8x16xf32, #tpu.memory_space<vmem>>, vector<1x1x16xf32>,
    %swap3A_347 = vector.shape_cast %swap3A_346 : vector<1x1x16xf32> to vector<16xf32>
    %swap3A_348 = vector.shape_cast %convert_element_type3A_340 : vector<16xf32> to vector<1x1x16xf32>
    tpu.vector_store %arg6[%swap3A_343, %swap3A_344, %swap3A_345], %swap3A_348 {strides = array<i32>} : memref<2x8x16xf32, #tpu.memory_space<vmem>>, vector<1x1x16xf32>,
    %swap3A_349 = arith.constant 0 : i32
    %swap3A_350 = arith.constant 6 : i32
    %swap3A_351 = arith.index_cast %swap3A_349 : i32 to index
    %swap3A_352 = arith.index_cast %swap3A_350 : i32 to index
    %swap3A_353 = arith.constant 0 : index
    %swap3A_354 = tpu.vector_load %arg6[%swap3A_351, %swap3A_352, %swap3A_353] {strides = array<i32>} : memref<2x8x16xf32, #tpu.memory_space<vmem>>, vector<1x1x16xf32>,
    %swap3A_355 = vector.shape_cast %swap3A_354 : vector<1x1x16xf32> to vector<16xf32>
    %swap3A_356 = vector.shape_cast %select_n3A_240 : vector<16xf32> to vector<1x1x16xf32>
    tpu.vector_store %arg6[%swap3A_351, %swap3A_352, %swap3A_353], %swap3A_356 {strides = array<i32>} : memref<2x8x16xf32, #tpu.memory_space<vmem>>, vector<1x1x16xf32>,
    %convert_element_type3A_357 = arith.sitofp %select_n3A_241 : vector<16xi32> to vector<16xf32>
    %swap3A_358 = arith.constant 1 : i32
    %swap3A_359 = arith.constant 6 : i32
    %swap3A_360 = arith.index_cast %swap3A_358 : i32 to index
    %swap3A_361 = arith.index_cast %swap3A_359 : i32 to index
    %swap3A_362 = arith.constant 0 : index
    %swap3A_363 = tpu.vector_load %arg6[%swap3A_360, %swap3A_361, %swap3A_362] {strides = array<i32>} : memref<2x8x16xf32, #tpu.memory_space<vmem>>, vector<1x1x16xf32>,
    %swap3A_364 = vector.shape_cast %swap3A_363 : vector<1x1x16xf32> to vector<16xf32>
    %swap3A_365 = vector.shape_cast %convert_element_type3A_357 : vector<16xf32> to vector<1x1x16xf32>
    tpu.vector_store %arg6[%swap3A_360, %swap3A_361, %swap3A_362], %swap3A_365 {strides = array<i32>} : memref<2x8x16xf32, #tpu.memory_space<vmem>>, vector<1x1x16xf32>,
    %swap3A_366 = arith.constant 0 : i32
    %swap3A_367 = arith.constant 7 : i32
    %swap3A_368 = arith.index_cast %swap3A_366 : i32 to index
    %swap3A_369 = arith.index_cast %swap3A_367 : i32 to index
    %swap3A_370 = arith.constant 0 : index
    %swap3A_371 = tpu.vector_load %arg6[%swap3A_368, %swap3A_369, %swap3A_370] {strides = array<i32>} : memref<2x8x16xf32, #tpu.memory_space<vmem>>, vector<1x1x16xf32>,
    %swap3A_372 = vector.shape_cast %swap3A_371 : vector<1x1x16xf32> to vector<16xf32>
    %swap3A_373 = vector.shape_cast %select_n3A_247 : vector<16xf32> to vector<1x1x16xf32>
    tpu.vector_store %arg6[%swap3A_368, %swap3A_369, %swap3A_370], %swap3A_373 {strides = array<i32>} : memref<2x8x16xf32, #tpu.memory_space<vmem>>, vector<1x1x16xf32>,
    %convert_element_type3A_374 = arith.sitofp %select_n3A_248 : vector<16xi32> to vector<16xf32>
    %swap3A_375 = arith.constant 1 : i32
    %swap3A_376 = arith.constant 7 : i32
    %swap3A_377 = arith.index_cast %swap3A_375 : i32 to index
    %swap3A_378 = arith.index_cast %swap3A_376 : i32 to index
    %swap3A_379 = arith.constant 0 : index
    %swap3A_380 = tpu.vector_load %arg6[%swap3A_377, %swap3A_378, %swap3A_379] {strides = array<i32>} : memref<2x8x16xf32, #tpu.memory_space<vmem>>, vector<1x1x16xf32>,
    %swap3A_381 = vector.shape_cast %swap3A_380 : vector<1x1x16xf32> to vector<16xf32>
    %swap3A_382 = vector.shape_cast %convert_element_type3A_374 : vector<16xf32> to vector<1x1x16xf32>
    tpu.vector_store %arg6[%swap3A_377, %swap3A_378, %swap3A_379], %swap3A_382 {strides = array<i32>} : memref<2x8x16xf32, #tpu.memory_space<vmem>>, vector<1x1x16xf32>,
    "tpu.region"() ({
      %run_scoped3A = tpu.sem_alloc : memref<!tpu.dma_semaphore, #tpu.memory_space<semaphore_mem>>
      %dma_start3A_383 = arith.constant 0 : i32
      %dma_start3A_384 = arith.constant 0 : i32
      %dma_start3A_385 = arith.constant 0 : i32
      %dma_start3A_386 = tpu.memref_slice %arg3[%add3A, %dma_start3A_383, %dma_start3A_384, %dma_start3A_385] : memref<32x2x8x16xf32, #tpu.memory_space<hbm>> -> memref<1x2x8x16xf32, #tpu.memory_space<hbm>>
      %dma_start3A_387 = tpu.memref_squeeze %dma_start3A_386 : memref<1x2x8x16xf32, #tpu.memory_space<hbm>> -> memref<2x8x16xf32, #tpu.memory_space<hbm>>
      %dma_start3A_388 = arith.constant 0 : i32
      %dma_start3A_389 = arith.constant 0 : i32
      %dma_start3A_390 = arith.constant 0 : i32
      %dma_start3A_391 = tpu.memref_slice %arg3[%add3A, %dma_start3A_388, %dma_start3A_389, %dma_start3A_390] : memref<32x2x8x16xf32, #tpu.memory_space<hbm>> -> memref<1x2x8x16xf32, #tpu.memory_space<hbm>>
      %dma_start3A_392 = tpu.memref_squeeze %dma_start3A_391 : memref<1x2x8x16xf32, #tpu.memory_space<hbm>> -> memref<2x8x16xf32, #tpu.memory_space<hbm>>
      tpu.enqueue_dma source(%arg6 : memref<2x8x16xf32, #tpu.memory_space<vmem>>) target(%dma_start3A_392 : memref<2x8x16xf32, #tpu.memory_space<hbm>>) target_semaphore(%run_scoped3A : memref<!tpu.dma_semaphore, #tpu.memory_space<semaphore_mem>>)
      %dma_wait3A_393 = arith.constant 0 : i32
      %dma_wait3A_394 = arith.constant 0 : i32
      %dma_wait3A_395 = arith.constant 0 : i32
      %dma_wait3A_396 = tpu.memref_slice %arg3[%add3A, %dma_wait3A_393, %dma_wait3A_394, %dma_wait3A_395] : memref<32x2x8x16xf32, #tpu.memory_space<hbm>> -> memref<1x2x8x16xf32, #tpu.memory_space<hbm>>
      %dma_wait3A_397 = tpu.memref_squeeze %dma_wait3A_396 : memref<1x2x8x16xf32, #tpu.memory_space<hbm>> -> memref<2x8x16xf32, #tpu.memory_space<hbm>>
      %dma_wait3A_398 = arith.constant 0 : i32
      %dma_wait3A_399 = arith.constant 0 : i32
      %dma_wait3A_400 = arith.constant 0 : i32
      %dma_wait3A_401 = tpu.memref_slice %arg3[%add3A, %dma_wait3A_398, %dma_wait3A_399, %dma_wait3A_400] : memref<32x2x8x16xf32, #tpu.memory_space<hbm>> -> memref<1x2x8x16xf32, #tpu.memory_space<hbm>>
      %dma_wait3A_402 = tpu.memref_squeeze %dma_wait3A_401 : memref<1x2x8x16xf32, #tpu.memory_space<hbm>> -> memref<2x8x16xf32, #tpu.memory_space<hbm>>
      tpu.wait_dma2 semaphore(%run_scoped3A : memref<!tpu.dma_semaphore, #tpu.memory_space<semaphore_mem>>) src(%arg6 : memref<2x8x16xf32, #tpu.memory_space<vmem>>) dst(%dma_wait3A_402 : memref<2x8x16xf32, #tpu.memory_space<hbm>>)
      tpu.yield
    }) : () -> ()
    return
  }
}

module attributes {stable_mosaic.version = 14 : i64} {
  func.func @_tc_argmax_body(%arg0: i32, %arg1: memref<4000x128xf32, #tpu.memory_space<vmem>>, %arg2: memref<2x128xf32, #tpu.memory_space<vmem>>) attributes {dimension_semantics = [#tpu.dimension_semantics<arbitrary>], iteration_bounds = array<i64: 14>, scalar_prefetch = 0 : i64, scratch_operands = 0 : i64, tpu.core_type = #tpu.core_type<tc>, window_params = [{transform_indices = @transform_0, window_bounds = array<i64: 4000, 128>}, {pipeline_mode = #tpu.pipeline_mode<synchronous>, transform_indices = @transform_1, window_bounds = array<i64: 2, 128>}]} {
    %get3A = arith.constant 0 : index
    %get3A_0 = arith.constant 0 : index
    %get3A_1 = vector.load %arg1[%get3A, %get3A_0] : memref<4000x128xf32, #tpu.memory_space<vmem>>, vector<4000x128xf32>
    %reduce_max3A = arith.constant dense<0xFF800000> : vector<128xf32>
    %reduce_max3A_2 = vector.multi_reduction <maximumf>, %get3A_1, %reduce_max3A [0] : vector<4000x128xf32> to vector<128xf32>
    %iota3A = tpu.iota {dimensions = array<i32: 0>} : vector<4000x128xi32>
    %broadcast_in_dim3A = vector.shape_cast %reduce_max3A_2 : vector<128xf32> to vector<1x128xf32>
    %eq3A = vector.broadcast %broadcast_in_dim3A : vector<1x128xf32> to vector<4000x128xf32>
    %eq3A_3 = arith.cmpf oeq, %get3A_1, %eq3A : vector<4000x128xf32>
    %jit3A = arith.constant 2147483647 : i32
    %broadcast_in_dim3A_4 = vector.broadcast %jit3A : i32 to vector<4000x128xi32>
    %select_n3A = arith.select %eq3A_3, %iota3A, %broadcast_in_dim3A_4 : vector<4000x128xi1>, vector<4000x128xi32>
    %reduce_min3A = arith.constant dense<2147483647> : vector<128xi32>
    %reduce_min3A_5 = vector.multi_reduction <minsi>, %select_n3A, %reduce_min3A [0] : vector<4000x128xi32> to vector<128xi32>
    %add3A = arith.constant 11 : i32
    %add3A_6 = arith.addi %add3A, %arg0 : i32
    %mul3A = arith.constant 4000 : i32
    %mul3A_7 = arith.muli %add3A_6, %mul3A : i32
    %add3A_8 = vector.broadcast %mul3A_7 : i32 to vector<128xi32>
    %add3A_9 = arith.addi %reduce_min3A_5, %add3A_8 : vector<128xi32>
    %convert_element_type3A = arith.sitofp %add3A_9 : vector<128xi32> to vector<128xf32>
    %eq3A_10 = arith.constant 0 : i32
    %eq3A_11 = arith.cmpi eq, %arg0, %eq3A_10 : i32
    %convert_element_type3A_12 = arith.extui %eq3A_11 : i1 to i32
    %cond3A = arith.constant 0 : i32
    %cond3A_13 = arith.cmpi ne, %convert_element_type3A_12, %cond3A : i32
    scf.if %cond3A_13 {
      %swap3A = arith.constant 0 : index
      %swap3A_18 = arith.constant 0 : index
      %swap3A_19 = vector.load %arg2[%swap3A, %swap3A_18] : memref<2x128xf32, #tpu.memory_space<vmem>>, vector<1x128xf32>
      %swap3A_20 = vector.shape_cast %swap3A_19 : vector<1x128xf32> to vector<128xf32>
      %swap3A_21 = vector.shape_cast %reduce_max3A_2 : vector<128xf32> to vector<1x128xf32>
      tpu.vector_store %arg2[%swap3A, %swap3A_18], %swap3A_21 {strides = array<i32>} : memref<2x128xf32, #tpu.memory_space<vmem>>, vector<1x128xf32>,
      %swap3A_22 = arith.constant 1 : index
      %swap3A_23 = arith.constant 0 : index
      %swap3A_24 = vector.load %arg2[%swap3A_22, %swap3A_23] : memref<2x128xf32, #tpu.memory_space<vmem>>, vector<1x128xf32>
      %swap3A_25 = vector.shape_cast %swap3A_24 : vector<1x128xf32> to vector<128xf32>
      %swap3A_26 = vector.shape_cast %convert_element_type3A : vector<128xf32> to vector<1x128xf32>
      tpu.vector_store %arg2[%swap3A_22, %swap3A_23], %swap3A_26 {strides = array<i32>} : memref<2x128xf32, #tpu.memory_space<vmem>>, vector<1x128xf32>,
    } else {
    }
    %gt3A = arith.constant 0 : i32
    %gt3A_14 = arith.cmpi sgt, %arg0, %gt3A : i32
    %convert_element_type3A_15 = arith.extui %gt3A_14 : i1 to i32
    %cond3A_16 = arith.constant 0 : i32
    %cond3A_17 = arith.cmpi ne, %convert_element_type3A_15, %cond3A_16 : i32
    scf.if %cond3A_17 {
      %get3A_18 = arith.constant 0 : index
      %get3A_19 = arith.constant 0 : index
      %get3A_20 = vector.load %arg2[%get3A_18, %get3A_19] : memref<2x128xf32, #tpu.memory_space<vmem>>, vector<1x128xf32>
      %get3A_21 = vector.shape_cast %get3A_20 : vector<1x128xf32> to vector<128xf32>
      %gt3A_22 = arith.cmpf ogt, %reduce_max3A_2, %get3A_21 : vector<128xf32>
      %select_n3A_23 = arith.select %gt3A_22, %reduce_max3A_2, %get3A_21 : vector<128xi1>, vector<128xf32>
      %swap3A = arith.constant 0 : index
      %swap3A_24 = arith.constant 0 : index
      %swap3A_25 = vector.load %arg2[%swap3A, %swap3A_24] : memref<2x128xf32, #tpu.memory_space<vmem>>, vector<1x128xf32>
      %swap3A_26 = vector.shape_cast %swap3A_25 : vector<1x128xf32> to vector<128xf32>
      %swap3A_27 = vector.shape_cast %select_n3A_23 : vector<128xf32> to vector<1x128xf32>
      tpu.vector_store %arg2[%swap3A, %swap3A_24], %swap3A_27 {strides = array<i32>} : memref<2x128xf32, #tpu.memory_space<vmem>>, vector<1x128xf32>,
      %get3A_28 = arith.constant 1 : index
      %get3A_29 = arith.constant 0 : index
      %get3A_30 = vector.load %arg2[%get3A_28, %get3A_29] : memref<2x128xf32, #tpu.memory_space<vmem>>, vector<1x128xf32>
      %get3A_31 = vector.shape_cast %get3A_30 : vector<1x128xf32> to vector<128xf32>
      %select_n3A_32 = arith.select %gt3A_22, %convert_element_type3A, %get3A_31 : vector<128xi1>, vector<128xf32>
      %swap3A_33 = arith.constant 1 : index
      %swap3A_34 = arith.constant 0 : index
      %swap3A_35 = vector.load %arg2[%swap3A_33, %swap3A_34] : memref<2x128xf32, #tpu.memory_space<vmem>>, vector<1x128xf32>
      %swap3A_36 = vector.shape_cast %swap3A_35 : vector<1x128xf32> to vector<128xf32>
      %swap3A_37 = vector.shape_cast %select_n3A_32 : vector<128xf32> to vector<1x128xf32>
      tpu.vector_store %arg2[%swap3A_33, %swap3A_34], %swap3A_37 {strides = array<i32>} : memref<2x128xf32, #tpu.memory_space<vmem>>, vector<1x128xf32>,
    } else {
    }
    return
  }
  func.func @transform_0(%arg0: i32) -> (i32, i32) {
    %add3A = arith.constant 11 : i32
    %add3A_0 = arith.addi %add3A, %arg0 : i32
    %c0_i32 = arith.constant 0 : i32
    %c0_i32_1 = arith.constant 0 : i32
    return %add3A_0, %c0_i32 : i32, i32
  }
  func.func @transform_1(%arg0: i32) -> (i32, i32) {
    %c0_i32 = arith.constant 0 : i32
    %c0_i32_0 = arith.constant 0 : i32
    %c0_i32_1 = arith.constant 0 : i32
    return %c0_i32, %c0_i32_0 : i32, i32
  }
}

</mosaic_0001>

<sc_bundles>
// kernel: kernel.4.cloned.1.call-start
scs
__scs_entry_jumppad:
0x0: {  	(pc) =	sbr.rel $0x88, $3  }
0x1: {  	(tag) =	ssettag $0x0;
	lr =	simm.s32 $0x1  }
0x2: {  	[smem:$0x3FA0] =	sst lr;
	_ =	strace $0xD0000000  }
0x3: {  	_ = 	snop  }
0x4: {  	_ = 	snop  }
0x5: {  	_ = 	snop  }
0x6: {  	_ = 	snop  }
0x7: {  	_ = 	snop  }
__scs_overlays_trampoline_lowered:
0x8: {  	[smem:$0x3FAF] =	sst s0  }
0x9: {  	[smem:$0x3FB0] =	sst s1  }
0xa: {  	[smem:$0x3FB1] =	sst s2  }
0xb: {  	[smem:$0x3FB2] =	sst s3  }
0xc: {  	[smem:$0x3FB3] =	sst s4  }
0xd: {  	[smem:$0x3FB4] =	sst s5  }
0xe: {  	[smem:$0x3FB5] =	sst s6  }
0xf: {  	[smem:$0x3FB6] =	sst s7  }
0x10: {  	[smem:$0x3FB7] =	sst s8  }
0x11: {  	[smem:$0x3FB8] =	sst s9;
	s0 =	simm.s32 @!p0 $0x0  }
0x12: {  	s1 =	sld [smem:$0x3F9E];
	s0 =	simm.s32 @p0 $0x1  }
0x13: {  	[smem:$0x3FB9] =	sst s0;
	s0 =	simm.s32 @!p1 $0x0  }
0x14: {  	s2 =	sld [smem:$0x3F9D];
	s0 =	simm.s32 @p1 $0x1  }
0x15: {  	[smem:$0x3FBA] =	sst s0;
	s0 =	simm.s32 @!p2 $0x0  }
0x16: {  	s3 =	sld [smem:$0x3FDB];
	s0 =	simm.s32 @p2 $0x1  }
0x17: {  	s4 =	simm.s32 $0x1BF5;
	[smem:$0x3FBC] =	sst s0  }
0x18: {  	s0 =	sld [smem:$0x3F9F];
	_ =	swait.ge [sflag:s4], $0x0  }
0x19: {  	s7 =	sld [smem:$0x3FA0]  }
0x1a: {  	s8 =	sadd.s32 $0xFFFFE003, lr  }
0x1b: {  	s9 =	sadd.s32 $0xFFFFFEF7, lr;
	s5 =	simm.s32 $0xFFFFFFFF;
	p2 =	slt.u32 s8, $0xFFFFF086  }
0x1c: {  	p1 =	slt.u32 s9, $0xF7A;
	s5 =	simm.s32 @!p2 $0x0  }
0x1d: {  	s5 =	simm.s32 @p1 $0x1;
	p0 =	seq.s32 s7, s2  }
0x1e: {  	s7 =	smul.u32 @!p0 $0xF7A, s2;
	p2 =	seq.s32 @!p0 s5, $0x0  }
0x1f: {  	s9 =	smul.u32 $0xF7A, s1;
	s8 =	simm.s32 @!p0 $0x1BF5;
	p2 =	por !p2, p0  }
0x20: {  	[sflag:s8] =	ssyncset.s32 @!p0 $0xFFFFF086;
	s6 =	sadd.s32 @!p0 s3, s7;
	s7 =	simm.s32 @!p0 $0x108  }
0x21: {  	s3 =	sadd.s32 s3, s9;
	s6 =	sadd.s32 @!p0 $0x88, s6;
	s7 =	simm.s32 @p2 $0x1082  }
0x22: {  	[simem:s7], [sflag:s8] =	dma.local @!p0 [hbm:s6], $0xF7A  }
0x23: {  	s9 =	sor.u32 $0xD0000000, s2;
	s6 =	simm.s32 $0x108;
	_ =	swait.ge @!p0 [sflag:s8], $0x0  }
0x24: {  	s3 =	sadd.s32 $0x88, s3;
	s6 =	simm.s32 @!p1 $0x1082;
	[sflag:s4] =	ssyncset.s32 $0xFFFFF086  }
0x25: {  	[simem:s6], [sflag:s4] =	dma.local [hbm:s3], $0xF7A  }
0x26: {  	[smem:$0x3FA0] =	sst s1;
	(tag) =	ssettag s2;
	_ =	strace s9  }
0x27: {  	s1 =	sld [smem:$0x3FB0]  }
0x28: {  	s2 =	sld [smem:$0x3FB1]  }
0x29: {  	s4 =	sld [smem:$0x3FB3]  }
0x2a: {  	p0 =	seq.s32 s5, $0x0;
	s5 =	sld [smem:$0x3FB4]  }
0x2b: {  	s6 =	sld [smem:$0x3FB5]  }
0x2c: {  	s7 =	sld [smem:$0x3FB6]  }
0x2d: {  	s3 =	simm.s32 $0x108;
	s8 =	sld [smem:$0x3FB7]  }
0x2e: {  	s3 =	simm.s32 @!p0 $0x1082;
	s9 =	sld [smem:$0x3FB8]  }
0x2f: {  	lr =	sadd.s32 s0, s3;
	s0 =	sld [smem:$0x3FAF]  }
0x30: {  	s3 =	sld [smem:$0x3FB2]  }
0x31: {  	[smem:$0x3FBB] =	sst s10  }
0x32: {  	s10 =	sld [smem:$0x3FB9];
	_ =	sdelay $0x3  }
0x33: {  	p0 =	seq.s32 s10, $0x1;
	s10 =	sld [smem:$0x3FBB];
	_ =	sdelay $0x3  }
0x34: {  	[smem:$0x3FBB] =	sst s10  }
0x35: {  	s10 =	sld [smem:$0x3FBA];
	_ =	sdelay $0x3  }
0x36: {  	p1 =	seq.s32 s10, $0x1;
	s10 =	sld [smem:$0x3FBB];
	_ =	sdelay $0x3  }
0x37: {  	[smem:$0x3FBB] =	sst s10  }
0x38: {  	s10 =	sld [smem:$0x3FBC]  }
0x39: {  	_ = 	snop;
	(pc) =	sbr.ind lr, $3  }
0x3a: {  	_ = 	snop  }
0x3b: {  	_ = 	snop  }
0x3c: {  	p2 =	seq.s32 s10, $0x1;
	s10 =	sld [smem:$0x3FBB]  }
0x3d: {  	_ =	shalt  }
0x3e: {  	_ =	shalt  }
0x3f: {  	_ =	shalt  }
0x40: {  	_ =	shalt  }
0x41: {  	_ =	shalt  }
0x42: {  	_ =	shalt  }
0x43: {  	_ =	shalt  }
0x44: {  	_ =	shalt  }
0x45: {  	_ =	shalt  }
0x46: {  	_ =	shalt  }
0x47: {  	_ =	shalt  }
0x48: {  	_ =	shalt  }
0x49: {  	_ =	shalt  }
0x4a: {  	_ =	shalt  }
0x4b: {  	_ =	shalt  }
0x4c: {  	_ =	shalt  }
0x4d: {  	_ =	shalt  }
0x4e: {  	_ =	shalt  }
0x4f: {  	_ =	shalt  }
0x50: {  	_ =	shalt  }
0x51: {  	_ =	shalt  }
0x52: {  	_ =	shalt  }
0x53: {  	_ =	shalt  }
0x54: {  	_ =	shalt  }
0x55: {  	_ =	shalt  }
0x56: {  	_ =	shalt  }
0x57: {  	_ =	shalt  }
0x58: {  	_ =	shalt  }
0x59: {  	_ =	shalt  }
0x5a: {  	_ =	shalt  }
0x5b: {  	_ =	shalt  }
0x5c: {  	_ =	shalt  }
0x5d: {  	_ =	shalt  }
0x5e: {  	_ =	shalt  }
0x5f: {  	_ =	shalt  }
0x60: {  	_ =	shalt  }
0x61: {  	_ =	shalt  }
0x62: {  	_ =	shalt  }
0x63: {  	_ =	shalt  }
0x64: {  	_ =	shalt  }
0x65: {  	_ =	shalt  }
0x66: {  	_ =	shalt  }
0x67: {  	_ =	shalt  }
0x68: {  	_ =	shalt  }
0x69: {  	_ =	shalt  }
0x6a: {  	_ =	shalt  }
0x6b: {  	_ =	shalt  }
0x6c: {  	_ =	shalt  }
0x6d: {  	_ =	shalt  }
0x6e: {  	_ =	shalt  }
0x6f: {  	_ =	shalt  }
0x70: {  	_ =	shalt  }
0x71: {  	_ =	shalt  }
0x72: {  	_ =	shalt  }
0x73: {  	_ =	shalt  }
0x74: {  	_ =	shalt  }
0x75: {  	_ =	shalt  }
0x76: {  	_ =	shalt  }
0x77: {  	_ =	shalt  }
0x78: {  	_ =	shalt  }
0x79: {  	_ =	shalt  }
0x7a: {  	_ =	shalt  }
0x7b: {  	_ =	shalt  }
0x7c: {  	_ =	shalt  }
0x7d: {  	_ =	shalt  }
0x7e: {  	_ =	shalt  }
0x7f: {  	_ =	shalt  }
0x80: {  	_ =	shalt  }
0x81: {  	_ =	shalt  }
0x82: {  	_ =	shalt  }
0x83: {  	_ =	shalt  }
0x84: {  	_ =	shalt  }
0x85: {  	_ =	shalt  }
0x86: {  	_ =	shalt  }
0x87: {  	_ =	shalt  }
.Lfunc_end0:
.L_simem_size_0:
called_computation_lowered:
.L_overlay_start_0:
0x88: {  	s2 =	sld [smem:$0x3FD9]  }
0x89: {  	s3 =	sld [smem:$0x3FFE];
	_ =	sdelay $0x1  }
0x8a: {  	s1 =	srdreg.scid  }
0x8b: {  	s0 =	sand.u32 $0x1, s1  }
0x8c: {  	s17 =	sshll.u32 s0, $0xA;
	s2 =	sadd.s32 s3, s2  }
0x8d: {  	s2 =	sadd.s32 s2, s17  }
0x8e: {  	[smem:$0x3FC7] =	sst s2  }
0x8f: {  	_ = 	snop  }
0x90: {  	s2 =	sld [smem:$0x3FC9];
	(tm) =	ssettm $0x1  }
0x91: {  	s18 =	sld [smem:$0x3FFB];
	_ =	sdelay $0x3  }
0x92: {  	_ =	strace s18  }
0x93: {  	s3 =	sld [smem:$0x3FFC];
	_ =	sdelay $0x3  }
0x94: {  	_ =	strace s3  }
0x95: {  	s3 =	sld [smem:$0x3FFD];
	_ =	sdelay $0x3  }
0x96: {  	_ =	strace s3  }
0x97: {  	_ =	strace $0x8FFFFFFF  }
0x98: {  	s19 =	sld [smem:$0x3FDB];
	_ =	sdelay $0x1  }
0x99: {  	s4 =	simm.s32 $_scs_section_size  }
0x9a: {  	s5 =	simm.s32 $_size__tile_overlayer_lowered;
	s6 =	simm.s32 $_tile_overlayer_lowered  }
0x9b: {  	s22 =	simm.s32 $0x1BFF;
	s21 =	sshll.u32 s6, $0x1;
	s3 =	sadd.s32 s4, s19  }
0x9c: {  	s7 =	simm.s32 $0x0;
	s20 =	sshll.u32 s5, $0x1;
	s5 =	sadd.s32 s21, s3  }
0x9d: {  	[timem:s7], [sflag:s22] =	dma.local [hbm:s5], s20  }
0x9e: {  	_ =	swait.ge [sflag:s22], s20  }
0x9f: {  	s4 =	ssub.s32 $0x0, s20;
	[sflag:s22] =	ssyncset.done $0x0  }
0xa0: {  	[sflag:s22] =	ssyncadd.s32 s4;
	_ =	sdelay $0x1  }
0xa1: {  	s23 =	simm.s32 $0x1B8B  }
0xa2: {  	_ =	swait.ge [sflag:s23], $0x1  }
0xa3: {  	[sflag:s23] =	ssyncset.done $0x0  }
0xa4: {  	s25 =	simm.s32 $0x1B8E;
	s24 =	sld [smem:$0x3FFE];
	[sflag:s23] =	ssyncadd.s32 $0xFFFFFFFF  }
0xa5: {  	s26 =	simm.s32 $execute0_lowered;
	[smem:$0x3FD2] =	sst s25  }
0xa6: {  	s5 =	sshll.u32 s26, $0x1;
	_ =	strace $0x80000046;
	[dreg:$0x1] =	wrdreg $0xFFFFFFFF  }
0xa7: {  	s28 =	simm.s32 $_size_execute0_lowered;
	s3 =	sadd.s32 s3, s5;
	[dreg:$0x0] =	wrdreg $0x0  }
0xa8: {  	s5 =	sshll.u32 s28, $0x1;
	[dreg:$0x2] =	wrdreg s3  }
0xa9: {  	[dreg:$0x3] =	wrdreg s5  }
0xaa: {  	[dreg:$0x4] =	wrdreg $0xC0  }
0xab: {  	_ =	task [dreg:s7], $0x5FFFF  }
0xac: {  	[dreg:$0x1] =	wrdreg $0xFFFFFFFF  }
0xad: {  	[dreg:$0x0] =	wrdreg $0x60  }
0xae: {  	[dreg:$0x2] =	wrdreg s2  }
0xaf: {  	[dreg:$0x3] =	wrdreg s24  }
0xb0: {  	[dreg:$0x4] =	wrdreg $0x9  }
0xb1: {  	_ =	task.clear_ibuf [dreg:s7], $0x5FFFF;
	_ =	strace $0x90000046  }
0xb2: {  	s29 =	simm.s32 $0x9;
	_ =	strace $0x80000048  }
0xb3: {  	_ =	swait.ge [sflag:s29], $0x1  }
0xb4: {  	[sflag:s29] =	ssyncadd.s32 $0xFFFFFFFF  }
0xb5: {  	_ =	strace $0x90000048  }
0xb6: {  	_ =	sfence  }
0xb7: {  	s30 =	sld [smem:$0x0];
	_ =	sdelay $0x2  }
0xb8: {  	s31 =	sshll.u32 s1, $0xD;
	s1 =	sshrl.u32 s1, $0x2  }
0xb9: {  	s3 =	sand.u32 $0x4000, s31;
	s1 =	sadd.s32 s1, s30  }
0xba: {  	s0 =	sor.u32 s3, s0;
	s1 =	sshll.u32 s1, $0x11  }
0xbb: {  	s0 =	sor.u32 s1, s0  }
0xbc: {  	s0 =	sadd.s32 $0x8F2B, s0  }
0xbd: {  	[sflag:s0] =	ssyncadd.remote.s32 $0x1  }
0xbe: {  	_ =	sfence.sel $0xFFFF  }
0xbf: {  	[dreg:$0x0] =	wrdreg $0xFFFFFFFF;
	(pc) =	sbr.abs _section_cstart, $3  }
0xc0: {  	[dreg:$0x1] =	wrdreg $0xFFFFFFFF  }
0xc1: {  	_ =	task.clear_ibuf [dreg:s7], $0x2FFFF;
	_ =	strace $0x9FFFFFFF  }
0xc2: {  	(tm) =	ssettm $0x7FFFFFFF  }
0xc3: {  	_ =	shalt  }
tec
execute0_lowered:
.L_overlay_start_1:
0x0: {  	(tag) =	ssettag $0x1  }
0x1: {  	s0 =	srdreg.scid;
	s4 =	rddreg [dreg:$0x0]  }
0x2: {  	s7 =	rddreg [dreg:$0x1];
	s1 =	stileid.u32;
	s3 =	sand.u32 $0x1, s0  }
0x3: {  	s12 =	simm.s32 $0x17000;
	s13 =	simm.s32 $0x3;
	s2 =	sshll.u32 s3, $0x4  }
0x4: {  	s14 =	simm.s32 $0x0;
	s0 =	rddreg [dreg:$0x2];
	s6 =	sor.u32 s1, s2  }
0x5: {  	s3 =	ssub.s32 $0x2, s3;
	s2 =	simm.s32 $0x0;
	s5 =	smul.u32 $0x2E000, s6  }
0x6: {  	s8 =	sshrl.u32 s3, $0x1;
	[smem:$0x7FF] =	sst s2;
	s9 =	smul.u32 $0x5C00, s6  }
0x7: {  	s8 =	ssub.s32 s3, s8;
	s10 =	smul.u32 $0x5C0, s6;
	s11 =	sshll.u32 s6, $0x8  }
0x8: {  	_ =	strace $0x80000047;
	s7 =	sadd.s32 s7, s11;
	s8 =	smax.u32 s8, $0x1  }
0x9: {  	s11 =	simm.s32 $0x2;
	s5 =	sshrl.u32 s5, $0x3;
	s3 =	sadd.s32 s4, s9  }
0xa: {  	v0 =	vmov s10;
	s9 =	simm.s32 $0xB800;
	s10 =	simm.s32 $0x1;
	s31 =	sadd.s32 s4, s5  }
0xb: {  	v1 =	vor.u32 $0x1, v0;
	s4 =	sadd.s32 $0x1700, s31;
	s5 =	sadd.s32 $0x2E00, s31;
	s6 =	sadd.s32 $0x4500, s31  }
.LBB2_1:
0xc: {  	[tilespmem:s2], [sflag:$0x1] =	stream.linear.gather [hbm4b:s3+s2], $0xB800, $0x38;
	[tilespmem:$0x17800] =	vst v63  }
0xd: {  	_ = 	snop  }
0xe: {  	[tilespmem:s9], [sflag:$0x2] =	stream.linear.gather [hbm4b:s4+s2], $0xB800, $0x38;
	[tilespmem:$0x17800] =	vst v63  }
0xf: {  	_ =	swait.ge [sflag:s10], $0xB800  }
0x10: {  	[sflag:s10] =	ssyncset.done $0x0  }
0x11: {  	s15 =	simm.s32 $0x0;
	[sflag:s10] =	ssyncadd.s32 $0xFFFF4800  }
0x12: {  	v2 =	vld [tilespmem:s15+$0x0]  }
0x13: {  	v8 =	vimm.f32 $-Inf;
	v3 =	vld [tilespmem:s15+$0x10]  }
0x14: {  	v5 =	vimm.s32 $0x0;
	v11 =	vimm.f32 $-Inf;
	v12 =	vimm.f32 $-Inf;
	v4 =	vld [tilespmem:s15+$0x20]  }
0x15: {  	v13 =	vimm.f32 $-Inf;
	v14 =	vimm.f32 $-Inf;
	v15 =	vimm.f32 $-Inf;
	v10 =	vld [tilespmem:s15+$0x30]  }
0x16: {  	v16 =	vimm.f32 $-Inf;
	v17 =	vimm.f32 $-Inf;
	v18 =	vimm.f32 $-Inf;
	v9 =	vld [tilespmem:s15+$0x40]  }
0x17: {  	v19 =	vimm.f32 $-Inf;
	v20 =	vimm.f32 $-Inf;
	v21 =	vimm.s32 $0x0;
	v36 =	vld [tilespmem:s15+$0x50]  }
0x18: {  	v22 =	vimm.s32 $0x0;
	v23 =	vimm.s32 $0x0;
	v24 =	vimm.s32 $0x0;
	v37 =	vld [tilespmem:s15+$0x60]  }
0x19: {  	v25 =	vimm.s32 $0x0;
	v26 =	vimm.s32 $0x0;
	v27 =	vimm.s32 $0x0;
	v38 =	vld [tilespmem:s15+$0x70]  }
0x1a: {  	v28 =	vimm.s32 $0x0;
	v29 =	vimm.s32 $0x0;
	v30 =	vimm.s32 $0x0;
	v39 =	vld [tilespmem:s15+$0x80]  }
0x1b: {  	v31 =	vimm.s32 $0x0;
	v32 =	vimm.s32 $0x0;
	v33 =	vimm.s32 $0x0;
	v41 =	vld [tilespmem:s15+$0x90]  }
0x1c: {  	v34 =	vimm.s32 $0x0;
	v35 =	vimm.s32 $0x0;
	v40 =	vld [tilespmem:s15+$0xA0];
	vm0 =	vgt.f32 v2, v8  }
0x1d: {  	v42 =	vld [tilespmem:s15+$0xB0];
	vm2 =	vgt.f32 v3, v8;
	vm1 =	vgt.f32 v10, v8;
	vm5 =	vgt.f32 v9, v8  }
0x1e: {  	v44 =	vld [tilespmem:s15+$0xC0];
	vm3 =	vgt.f32 v36, v8;
	vm4 =	vgt.f32 v37, v8;
	v6 =	vsel vm0, v2, v8  }
0x1f: {  	v43 =	vld [tilespmem:s15+$0xD0];
	v7 =	vsel vm0, v5, v5;
	vm0 =	vgt.f32 v4, v8;
	v2 =	vsel vm2, v3, v8  }
0x20: {  	s16 =	simm.s32 $0x400;
	v45 =	vld [tilespmem:s15+$0xE0];
	v3 =	vsel vm0, v4, v8;
	v4 =	vsel vm1, v10, v8;
	v10 =	vimm.f32 $-Inf  }
.LBB2_2:
0x21: {  	p0 =	sne.s32 s16, $0x2DC00;
	v8 =	vsel vm5, v9, v8;
	v10 =	vsel vm3, v36, v10;
	v11 =	vsel vm4, v37, v11;
	v36 =	vld [tilespmem:s15+$0xF0]  }
0x22: {  	s15 =	sshra.s32 s16, $0x2;
	vm6 =	vgt.f32 v38, v12;
	vm7 =	vgt.f32 v39, v13;
	vm8 =	vgt.f32 v41, v14  }
0x23: {  	v12 =	vsel vm6, v38, v12;
	v13 =	vsel vm7, v39, v13;
	v14 =	vsel vm8, v41, v14;
	v46 =	vld [tilespmem:s15+$0x0]  }
0x24: {  	vm9 =	vgt.f32 v40, v15;
	vm10 =	vgt.f32 v42, v16;
	vm11 =	vgt.f32 v44, v17;
	v47 =	vld [tilespmem:s15+$0x10]  }
0x25: {  	v15 =	vsel vm9, v40, v15;
	v16 =	vsel vm10, v42, v16;
	v17 =	vsel vm11, v44, v17;
	v48 =	vld [tilespmem:s15+$0x20]  }
0x26: {  	vm12 =	vgt.f32 v43, v18;
	vm13 =	vgt.f32 v45, v19;
	v49 =	vld [tilespmem:s15+$0x30];
	vm14 =	vgt.f32 v36, v20  }
0x27: {  	v18 =	vsel vm12, v43, v18;
	v19 =	vsel vm13, v45, v19;
	v9 =	vld [tilespmem:s15+$0x40];
	v20 =	vsel vm14, v36, v20  }
0x28: {  	v21 =	vsel vm2, v5, v21;
	v22 =	vsel vm0, v5, v22;
	v23 =	vsel vm1, v5, v23;
	v36 =	vld [tilespmem:s15+$0x50]  }
0x29: {  	v24 =	vsel vm5, v5, v24;
	v25 =	vsel vm3, v5, v25;
	v26 =	vsel vm4, v5, v26;
	v37 =	vld [tilespmem:s15+$0x60]  }
0x2a: {  	v27 =	vsel vm6, v5, v27;
	v28 =	vsel vm7, v5, v28;
	v29 =	vsel vm8, v5, v29;
	v38 =	vld [tilespmem:s15+$0x70]  }
0x2b: {  	v30 =	vsel vm9, v5, v30;
	v31 =	vsel vm10, v5, v31;
	v32 =	vsel vm11, v5, v32;
	v39 =	vld [tilespmem:s15+$0x80]  }
0x2c: {  	v33 =	vsel vm12, v5, v33;
	v34 =	vsel vm13, v5, v34;
	v35 =	vsel vm14, v5, v35;
	v41 =	vld [tilespmem:s15+$0x90]  }
.Ltmp0:
0x2d: {  	v5 =	vadd.s32 $0x1, v5;
	vm0 =	vgt.f32 v46, v6;
	v40 =	vld [tilespmem:s15+$0xA0];
	(pc) =	sbr.rel @p0 .LBB2_2-.Ltmp0, $4  }
0x2e: {  	v6 =	vsel vm0, v46, v6;
	v7 =	vsel vm0, v5, v7;
	v42 =	vld [tilespmem:s15+$0xB0]  }
0x2f: {  	vm2 =	vgt.f32 v47, v2;
	vm0 =	vgt.f32 v48, v3;
	vm1 =	vgt.f32 v49, v4;
	v44 =	vld [tilespmem:s15+$0xC0]  }
0x30: {  	v2 =	vsel vm2, v47, v2;
	v3 =	vsel vm0, v48, v3;
	v4 =	vsel vm1, v49, v4;
	v43 =	vld [tilespmem:s15+$0xD0]  }
0x31: {  	s16 =	sadd.s32 $0x400, s16;
	vm5 =	vgt.f32 v9, v8;
	vm3 =	vgt.f32 v36, v10;
	vm4 =	vgt.f32 v37, v11;
	v45 =	vld [tilespmem:s15+$0xE0]  }
0x32: {  	s31 =	simm.s32 $0x0  }
0x33: {  	v46 =	vld [tilespmem:s15+$0xF0];
	[tilespmem:s31], [sflag:$0x1] =	stream.linear.gather [hbm4b:s5+s31], $0xB800, $0x38  }
0x34: {  	_ =	swait.ge [sflag:s11], $0xB800  }
0x35: {  	v9 =	vsel vm5, v9, v8;
	[sflag:s11] =	ssyncset.done $0x0  }
0x36: {  	v10 =	vsel vm3, v36, v10;
	v11 =	vsel vm4, v37, v11;
	vm6 =	vgt.f32 v38, v12;
	s15 =	simm.s32 $0x0;
	[sflag:s11] =	ssyncadd.s32 $0xFFFF4800  }
0x37: {  	vm7 =	vgt.f32 v39, v13;
	vm8 =	vgt.f32 v41, v14;
	vm9 =	vgt.f32 v40, v15;
	v47 =	vld [tilespmem:s15+$0xB800]  }
0x38: {  	v21 =	vsel vm2, v5, v21;
	v22 =	vsel vm0, v5, v22;
	v23 =	vsel vm1, v5, v23;
	v48 =	vld [tilespmem:s15+$0xB810]  }
0x39: {  	v24 =	vsel vm5, v5, v24;
	v25 =	vsel vm3, v5, v25;
	v26 =	vsel vm4, v5, v26;
	v49 =	vld [tilespmem:s15+$0xB820]  }
0x3a: {  	v8 =	vadd.s32 $0x1, v5;
	v12 =	vsel vm6, v38, v12;
	v13 =	vsel vm7, v39, v13;
	v50 =	vld [tilespmem:s15+$0xB830]  }
0x3b: {  	v14 =	vsel vm8, v41, v14;
	vm10 =	vgt.f32 v42, v16;
	v15 =	vsel vm9, v40, v15;
	v36 =	vld [tilespmem:s15+$0xB840]  }
0x3c: {  	v27 =	vsel vm6, v5, v27;
	v28 =	vsel vm7, v5, v28;
	v29 =	vsel vm8, v5, v29;
	v37 =	vld [tilespmem:s15+$0xB850]  }
0x3d: {  	v30 =	vsel vm9, v5, v30;
	vm11 =	vgt.f32 v44, v17;
	v16 =	vsel vm10, v42, v16;
	v39 =	vld [tilespmem:s15+$0xB860]  }
0x3e: {  	v31 =	vsel vm10, v5, v31;
	v17 =	vsel vm11, v44, v17;
	vm12 =	vgt.f32 v43, v18;
	v38 =	vld [tilespmem:s15+$0xB870]  }
0x3f: {  	v32 =	vsel vm11, v5, v32;
	vm13 =	vgt.f32 v45, v19;
	v18 =	vsel vm12, v43, v18;
	v40 =	vld [tilespmem:s15+$0xB880]  }
0x40: {  	v33 =	vsel vm12, v5, v33;
	vm14 =	vgt.f32 v46, v20;
	v19 =	vsel vm13, v45, v19;
	v42 =	vld [tilespmem:s15+$0xB890]  }
0x41: {  	v34 =	vsel vm13, v5, v34;
	v41 =	vld [tilespmem:s15+$0xB8A0];
	v20 =	vsel vm14, v46, v20;
	v5 =	vsel vm14, v5, v35  }
0x42: {  	v43 =	vld [tilespmem:s15+$0xB8B0];
	vm0 =	vgt.f32 v47, v6;
	vm2 =	vgt.f32 v48, v2;
	vm1 =	vgt.f32 v50, v4  }
0x43: {  	v44 =	vld [tilespmem:s15+$0xB8C0];
	vm5 =	vgt.f32 v36, v9;
	vm3 =	vgt.f32 v37, v10;
	vm4 =	vgt.f32 v39, v11  }
0x44: {  	v45 =	vld [tilespmem:s15+$0xB8E0];
	v6 =	vsel vm0, v47, v6;
	v7 =	vsel vm0, v8, v7;
	vm0 =	vgt.f32 v49, v3  }
0x45: {  	s16 =	simm.s32 $0x400;
	v35 =	vsel vm2, v48, v2;
	v4 =	vsel vm1, v50, v4;
	v2 =	vld [tilespmem:s15+$0xB8D0];
	v3 =	vsel vm0, v49, v3  }
.LBB2_4:
0x46: {  	p0 =	sne.s32 s16, $0x2DC00;
	v9 =	vsel vm5, v36, v9;
	v10 =	vsel vm3, v37, v10;
	v11 =	vsel vm4, v39, v11;
	v37 =	vld [tilespmem:s15+$0xB8F0]  }
0x47: {  	s15 =	sshra.s32 s16, $0x2;
	vm6 =	vgt.f32 v38, v12;
	vm7 =	vgt.f32 v40, v13;
	vm8 =	vgt.f32 v42, v14  }
0x48: {  	v12 =	vsel vm6, v38, v12;
	v13 =	vsel vm7, v40, v13;
	v14 =	vsel vm8, v42, v14;
	v46 =	vld [tilespmem:s15+$0xB800]  }
0x49: {  	vm9 =	vgt.f32 v41, v15;
	vm10 =	vgt.f32 v43, v16;
	vm11 =	vgt.f32 v44, v17;
	v47 =	vld [tilespmem:s15+$0xB810]  }
0x4a: {  	v15 =	vsel vm9, v41, v15;
	v16 =	vsel vm10, v43, v16;
	v17 =	vsel vm11, v44, v17;
	v48 =	vld [tilespmem:s15+$0xB820]  }
0x4b: {  	vm12 =	vgt.f32 v2, v18;
	vm13 =	vgt.f32 v45, v19;
	v49 =	vld [tilespmem:s15+$0xB830];
	vm14 =	vgt.f32 v37, v20  }
0x4c: {  	v18 =	vsel vm12, v2, v18;
	v19 =	vsel vm13, v45, v19;
	v36 =	vld [tilespmem:s15+$0xB840];
	v20 =	vsel vm14, v37, v20  }
0x4d: {  	v21 =	vsel vm2, v8, v21;
	v22 =	vsel vm0, v8, v22;
	v23 =	vsel vm1, v8, v23;
	v37 =	vld [tilespmem:s15+$0xB850]  }
0x4e: {  	v24 =	vsel vm5, v8, v24;
	v25 =	vsel vm3, v8, v25;
	v26 =	vsel vm4, v8, v26;
	v39 =	vld [tilespmem:s15+$0xB860]  }
0x4f: {  	v27 =	vsel vm6, v8, v27;
	v28 =	vsel vm7, v8, v28;
	v29 =	vsel vm8, v8, v29;
	v38 =	vld [tilespmem:s15+$0xB870]  }
0x50: {  	v30 =	vsel vm9, v8, v30;
	v31 =	vsel vm10, v8, v31;
	v32 =	vsel vm11, v8, v32;
	v40 =	vld [tilespmem:s15+$0xB880]  }
0x51: {  	v33 =	vsel vm12, v8, v33;
	v34 =	vsel vm13, v8, v34;
	v5 =	vsel vm14, v8, v5;
	v42 =	vld [tilespmem:s15+$0xB890]  }
.Ltmp1:
0x52: {  	v8 =	vadd.s32 $0x1, v8;
	vm0 =	vgt.f32 v46, v6;
	v41 =	vld [tilespmem:s15+$0xB8A0];
	(pc) =	sbr.rel @p0 .LBB2_4-.Ltmp1, $4  }
0x53: {  	v6 =	vsel vm0, v46, v6;
	v7 =	vsel vm0, v8, v7;
	v43 =	vld [tilespmem:s15+$0xB8B0]  }
0x54: {  	vm2 =	vgt.f32 v47, v35;
	vm0 =	vgt.f32 v48, v3;
	vm1 =	vgt.f32 v49, v4;
	v44 =	vld [tilespmem:s15+$0xB8C0]  }
0x55: {  	v35 =	vsel vm2, v47, v35;
	v3 =	vsel vm0, v48, v3;
	v4 =	vsel vm1, v49, v4;
	v2 =	vld [tilespmem:s15+$0xB8D0]  }
0x56: {  	s16 =	sadd.s32 $0x400, s16;
	vm5 =	vgt.f32 v36, v9;
	vm3 =	vgt.f32 v37, v10;
	vm4 =	vgt.f32 v39, v11;
	v45 =	vld [tilespmem:s15+$0xB8E0]  }
0x57: {  	s31 =	simm.s32 $0x0  }
0x58: {  	v46 =	vld [tilespmem:s15+$0xB8F0];
	[tilespmem:s9], [sflag:$0x2] =	stream.linear.gather [hbm4b:s6+s31], $0xB800, $0x38  }
0x59: {  	_ =	swait.ge [sflag:s10], $0xB800  }
0x5a: {  	v9 =	vsel vm5, v36, v9;
	[sflag:s10] =	ssyncset.done $0x0  }
0x5b: {  	v10 =	vsel vm3, v37, v10;
	v11 =	vsel vm4, v39, v11;
	vm6 =	vgt.f32 v38, v12;
	s15 =	simm.s32 $0x0;
	[sflag:s10] =	ssyncadd.s32 $0xFFFF4800  }
0x5c: {  	vm7 =	vgt.f32 v40, v13;
	vm8 =	vgt.f32 v42, v14;
	vm9 =	vgt.f32 v41, v15;
	v47 =	vld [tilespmem:s15+$0x0]  }
0x5d: {  	v21 =	vsel vm2, v8, v21;
	v22 =	vsel vm0, v8, v22;
	v23 =	vsel vm1, v8, v23;
	v48 =	vld [tilespmem:s15+$0x10]  }
0x5e: {  	v24 =	vsel vm5, v8, v24;
	v25 =	vsel vm3, v8, v25;
	v26 =	vsel vm4, v8, v26;
	v49 =	vld [tilespmem:s15+$0x20]  }
0x5f: {  	v12 =	vsel vm6, v38, v12;
	v13 =	vsel vm7, v40, v13;
	v14 =	vsel vm8, v42, v14;
	v50 =	vld [tilespmem:s15+$0x30]  }
0x60: {  	vm10 =	vgt.f32 v43, v16;
	v15 =	vsel vm9, v41, v15;
	v27 =	vsel vm6, v8, v27;
	v36 =	vld [tilespmem:s15+$0x40]  }
0x61: {  	v28 =	vsel vm7, v8, v28;
	v29 =	vsel vm8, v8, v29;
	v30 =	vsel vm9, v8, v30;
	v37 =	vld [tilespmem:s15+$0x50]  }
0x62: {  	vm11 =	vgt.f32 v44, v17;
	v16 =	vsel vm10, v43, v16;
	v31 =	vsel vm10, v8, v31;
	v39 =	vld [tilespmem:s15+$0x60]  }
0x63: {  	v17 =	vsel vm11, v44, v17;
	vm12 =	vgt.f32 v2, v18;
	v32 =	vsel vm11, v8, v32;
	v38 =	vld [tilespmem:s15+$0x70]  }
0x64: {  	vm13 =	vgt.f32 v45, v19;
	v18 =	vsel vm12, v2, v18;
	v33 =	vsel vm12, v8, v33;
	v40 =	vld [tilespmem:s15+$0x80]  }
0x65: {  	v2 =	vadd.s32 $0x1, v8;
	vm14 =	vgt.f32 v46, v20;
	v19 =	vsel vm13, v45, v19;
	v42 =	vld [tilespmem:s15+$0x90]  }
0x66: {  	v34 =	vsel vm13, v8, v34;
	v41 =	vld [tilespmem:s15+$0xA0];
	v20 =	vsel vm14, v46, v20;
	v5 =	vsel vm14, v8, v5  }
0x67: {  	v43 =	vld [tilespmem:s15+$0xB0];
	vm0 =	vgt.f32 v47, v6;
	vm2 =	vgt.f32 v48, v35;
	vm1 =	vgt.f32 v50, v4  }
0x68: {  	v44 =	vld [tilespmem:s15+$0xC0];
	vm5 =	vgt.f32 v36, v9;
	vm3 =	vgt.f32 v37, v10;
	vm4 =	vgt.f32 v39, v11  }
0x69: {  	v45 =	vld [tilespmem:s15+$0xE0];
	v6 =	vsel vm0, v47, v6;
	v7 =	vsel vm0, v2, v7;
	vm0 =	vgt.f32 v49, v3  }
0x6a: {  	s16 =	simm.s32 $0x400;
	v8 =	vsel vm2, v48, v35;
	v35 =	vsel vm1, v50, v4;
	v4 =	vld [tilespmem:s15+$0xD0];
	v3 =	vsel vm0, v49, v3  }
.LBB2_6:
0x6b: {  	p0 =	sne.s32 s16, $0x2DC00;
	v9 =	vsel vm5, v36, v9;
	v10 =	vsel vm3, v37, v10;
	v11 =	vsel vm4, v39, v11;
	v37 =	vld [tilespmem:s15+$0xF0]  }
0x6c: {  	s15 =	sshra.s32 s16, $0x2;
	vm6 =	vgt.f32 v38, v12;
	vm7 =	vgt.f32 v40, v13;
	vm8 =	vgt.f32 v42, v14  }
0x6d: {  	v12 =	vsel vm6, v38, v12;
	v13 =	vsel vm7, v40, v13;
	v14 =	vsel vm8, v42, v14;
	v46 =	vld [tilespmem:s15+$0x0]  }
0x6e: {  	vm9 =	vgt.f32 v41, v15;
	vm10 =	vgt.f32 v43, v16;
	vm11 =	vgt.f32 v44, v17;
	v47 =	vld [tilespmem:s15+$0x10]  }
0x6f: {  	v15 =	vsel vm9, v41, v15;
	v16 =	vsel vm10, v43, v16;
	v17 =	vsel vm11, v44, v17;
	v48 =	vld [tilespmem:s15+$0x20]  }
0x70: {  	vm12 =	vgt.f32 v4, v18;
	vm13 =	vgt.f32 v45, v19;
	v49 =	vld [tilespmem:s15+$0x30];
	vm14 =	vgt.f32 v37, v20  }
0x71: {  	v18 =	vsel vm12, v4, v18;
	v19 =	vsel vm13, v45, v19;
	v36 =	vld [tilespmem:s15+$0x40];
	v20 =	vsel vm14, v37, v20  }
0x72: {  	v21 =	vsel vm2, v2, v21;
	v22 =	vsel vm0, v2, v22;
	v23 =	vsel vm1, v2, v23;
	v37 =	vld [tilespmem:s15+$0x50]  }
0x73: {  	v24 =	vsel vm5, v2, v24;
	v25 =	vsel vm3, v2, v25;
	v26 =	vsel vm4, v2, v26;
	v39 =	vld [tilespmem:s15+$0x60]  }
0x74: {  	v27 =	vsel vm6, v2, v27;
	v28 =	vsel vm7, v2, v28;
	v29 =	vsel vm8, v2, v29;
	v38 =	vld [tilespmem:s15+$0x70]  }
0x75: {  	v30 =	vsel vm9, v2, v30;
	v31 =	vsel vm10, v2, v31;
	v32 =	vsel vm11, v2, v32;
	v40 =	vld [tilespmem:s15+$0x80]  }
0x76: {  	v33 =	vsel vm12, v2, v33;
	v34 =	vsel vm13, v2, v34;
	v5 =	vsel vm14, v2, v5;
	v42 =	vld [tilespmem:s15+$0x90]  }
.Ltmp2:
0x77: {  	v2 =	vadd.s32 $0x1, v2;
	vm0 =	vgt.f32 v46, v6;
	v41 =	vld [tilespmem:s15+$0xA0];
	(pc) =	sbr.rel @p0 .LBB2_6-.Ltmp2, $4  }
0x78: {  	v6 =	vsel vm0, v46, v6;
	v7 =	vsel vm0, v2, v7;
	v43 =	vld [tilespmem:s15+$0xB0]  }
0x79: {  	vm2 =	vgt.f32 v47, v8;
	vm0 =	vgt.f32 v48, v3;
	vm1 =	vgt.f32 v49, v35;
	v44 =	vld [tilespmem:s15+$0xC0]  }
0x7a: {  	v8 =	vsel vm2, v47, v8;
	v3 =	vsel vm0, v48, v3;
	v35 =	vsel vm1, v49, v35;
	v4 =	vld [tilespmem:s15+$0xD0]  }
0x7b: {  	s16 =	sadd.s32 $0x400, s16;
	vm5 =	vgt.f32 v36, v9;
	vm3 =	vgt.f32 v37, v10;
	vm4 =	vgt.f32 v39, v11;
	v45 =	vld [tilespmem:s15+$0xE0]  }
0x7c: {  	v46 =	vld [tilespmem:s15+$0xF0];
	_ =	swait.ge [sflag:s11], $0xB800  }
0x7d: {  	v9 =	vsel vm5, v36, v9;
	[sflag:s11] =	ssyncset.done $0x0  }
0x7e: {  	v10 =	vsel vm3, v37, v10;
	v11 =	vsel vm4, v39, v11;
	vm6 =	vgt.f32 v38, v12;
	s15 =	simm.s32 $0x0;
	[sflag:s11] =	ssyncadd.s32 $0xFFFF4800  }
0x7f: {  	vm7 =	vgt.f32 v40, v13;
	vm8 =	vgt.f32 v42, v14;
	vm9 =	vgt.f32 v41, v15;
	v47 =	vld [tilespmem:s15+$0xB800]  }
0x80: {  	v21 =	vsel vm2, v2, v21;
	v22 =	vsel vm0, v2, v22;
	v23 =	vsel vm1, v2, v23;
	v48 =	vld [tilespmem:s15+$0xB810]  }
0x81: {  	v24 =	vsel vm5, v2, v24;
	v25 =	vsel vm3, v2, v25;
	v26 =	vsel vm4, v2, v26;
	v49 =	vld [tilespmem:s15+$0xB820]  }
0x82: {  	v12 =	vsel vm6, v38, v12;
	v13 =	vsel vm7, v40, v13;
	v14 =	vsel vm8, v42, v14;
	v50 =	vld [tilespmem:s15+$0xB830]  }
0x83: {  	vm10 =	vgt.f32 v43, v16;
	v15 =	vsel vm9, v41, v15;
	v27 =	vsel vm6, v2, v27;
	v38 =	vld [tilespmem:s15+$0xB840]  }
0x84: {  	v28 =	vsel vm7, v2, v28;
	v29 =	vsel vm8, v2, v29;
	v30 =	vsel vm9, v2, v30;
	v39 =	vld [tilespmem:s15+$0xB850]  }
0x85: {  	vm11 =	vgt.f32 v44, v17;
	v16 =	vsel vm10, v43, v16;
	v36 =	vsel vm10, v2, v31;
	v41 =	vld [tilespmem:s15+$0xB860]  }
0x86: {  	v31 =	vadd.s32 $0x1, v2;
	v17 =	vsel vm11, v44, v17;
	vm12 =	vgt.f32 v4, v18;
	v40 =	vld [tilespmem:s15+$0xB870]  }
0x87: {  	v42 =	vld [tilespmem:s15+$0xB880];
	v32 =	vsel vm11, v2, v32;
	vm13 =	vgt.f32 v45, v19;
	v18 =	vsel vm12, v4, v18  }
0x88: {  	v44 =	vld [tilespmem:s15+$0xB890];
	v33 =	vsel vm12, v2, v33;
	vm14 =	vgt.f32 v46, v20;
	v19 =	vsel vm13, v45, v19  }
0x89: {  	v43 =	vld [tilespmem:s15+$0xB8A0];
	v34 =	vsel vm13, v2, v34;
	v20 =	vsel vm14, v46, v20;
	v37 =	vsel vm14, v2, v5  }
0x8a: {  	v45 =	vld [tilespmem:s15+$0xB8B0];
	vm0 =	vgt.f32 v47, v6;
	vm1 =	vgt.f32 v49, v3;
	vm2 =	vgt.f32 v50, v35  }
0x8b: {  	v46 =	vld [tilespmem:s15+$0xB8C0];
	vm3 =	vgt.f32 v38, v9;
	vm4 =	vgt.f32 v39, v10;
	v5 =	vsel vm0, v47, v6  }
0x8c: {  	v6 =	vsel vm0, v31, v7;
	vm0 =	vgt.f32 v48, v8;
	v2 =	vsel vm2, v50, v35;
	v35 =	vld [tilespmem:s15+$0xB8D0]  }
0x8d: {  	s16 =	simm.s32 $0x400;
	vm5 =	vgt.f32 v41, v11;
	v3 =	vsel vm1, v49, v3;
	v47 =	vld [tilespmem:s15+$0xB8E0];
	v4 =	vsel vm0, v48, v8  }
.LBB2_8:
0x8e: {  	p0 =	sne.s32 s16, $0x2DC00;
	v9 =	vsel vm3, v38, v9;
	v10 =	vsel vm4, v39, v10;
	v11 =	vsel vm5, v41, v11;
	v7 =	vld [tilespmem:s15+$0xB8F0]  }
0x8f: {  	s15 =	sshra.s32 s16, $0x2;
	vm6 =	vgt.f32 v40, v12;
	vm7 =	vgt.f32 v42, v13;
	vm8 =	vgt.f32 v44, v14  }
0x90: {  	v12 =	vsel vm6, v40, v12;
	v13 =	vsel vm7, v42, v13;
	v14 =	vsel vm8, v44, v14;
	v8 =	vld [tilespmem:s15+$0xB800]  }
0x91: {  	vm9 =	vgt.f32 v43, v15;
	vm10 =	vgt.f32 v45, v16;
	vm11 =	vgt.f32 v46, v17;
	v48 =	vld [tilespmem:s15+$0xB810]  }
0x92: {  	v15 =	vsel vm9, v43, v15;
	v16 =	vsel vm10, v45, v16;
	v17 =	vsel vm11, v46, v17;
	v49 =	vld [tilespmem:s15+$0xB820]  }
0x93: {  	vm12 =	vgt.f32 v35, v18;
	vm13 =	vgt.f32 v47, v19;
	v50 =	vld [tilespmem:s15+$0xB830];
	vm14 =	vgt.f32 v7, v20  }
0x94: {  	v18 =	vsel vm12, v35, v18;
	v19 =	vsel vm13, v47, v19;
	v38 =	vld [tilespmem:s15+$0xB840];
	v20 =	vsel vm14, v7, v20  }
0x95: {  	v21 =	vsel vm0, v31, v21;
	v22 =	vsel vm1, v31, v22;
	v23 =	vsel vm2, v31, v23;
	v39 =	vld [tilespmem:s15+$0xB850]  }
0x96: {  	v24 =	vsel vm3, v31, v24;
	v25 =	vsel vm4, v31, v25;
	v26 =	vsel vm5, v31, v26;
	v41 =	vld [tilespmem:s15+$0xB860]  }
0x97: {  	v27 =	vsel vm6, v31, v27;
	v28 =	vsel vm7, v31, v28;
	v29 =	vsel vm8, v31, v29;
	v40 =	vld [tilespmem:s15+$0xB870]  }
0x98: {  	v30 =	vsel vm9, v31, v30;
	v36 =	vsel vm10, v31, v36;
	v32 =	vsel vm11, v31, v32;
	v42 =	vld [tilespmem:s15+$0xB880]  }
0x99: {  	v33 =	vsel vm12, v31, v33;
	v34 =	vsel vm13, v31, v34;
	v37 =	vsel vm14, v31, v37;
	v44 =	vld [tilespmem:s15+$0xB890]  }
.Ltmp3:
0x9a: {  	v31 =	vadd.s32 $0x1, v31;
	vm0 =	vgt.f32 v8, v5;
	v43 =	vld [tilespmem:s15+$0xB8A0];
	(pc) =	sbr.rel @p0 .LBB2_8-.Ltmp3, $4  }
0x9b: {  	v5 =	vsel vm0, v8, v5;
	v6 =	vsel vm0, v31, v6;
	v45 =	vld [tilespmem:s15+$0xB8B0]  }
0x9c: {  	vm0 =	vgt.f32 v48, v4;
	vm1 =	vgt.f32 v49, v3;
	vm2 =	vgt.f32 v50, v2;
	v46 =	vld [tilespmem:s15+$0xB8C0]  }
0x9d: {  	v4 =	vsel vm0, v48, v4;
	v3 =	vsel vm1, v49, v3;
	v2 =	vsel vm2, v50, v2;
	v35 =	vld [tilespmem:s15+$0xB8D0]  }
0x9e: {  	s16 =	sadd.s32 $0x400, s16;
	vm3 =	vgt.f32 v38, v9;
	vm4 =	vgt.f32 v39, v10;
	vm5 =	vgt.f32 v41, v11;
	v47 =	vld [tilespmem:s15+$0xB8E0]  }
0x9f: {  	v9 =	vsel vm3, v38, v9;
	v10 =	vsel vm4, v39, v10;
	v8 =	vsel vm5, v41, v11  }
0xa0: {  	vm6 =	vgt.f32 v40, v12;
	vm7 =	vgt.f32 v42, v13;
	vm8 =	vgt.f32 v44, v14  }
0xa1: {  	vm9 =	vgt.f32 v43, v15;
	v38 =	vsel vm0, v31, v21;
	v39 =	vsel vm1, v31, v22  }
0xa2: {  	v41 =	vsel vm3, v31, v24;
	v6 =	vshll.u32 v6, $0x1;
	v7 =	vsel vm6, v40, v12  }
0xa3: {  	v57 =	vsel vm7, v42, v13;
	v58 =	vsel vm8, v44, v14;
	vm10 =	vgt.f32 v45, v16  }
0xa4: {  	v59 =	vsel vm9, v43, v15;
	v40 =	vsel vm2, v31, v23;
	v42 =	vsel vm4, v31, v25  }
0xa5: {  	v43 =	vsel vm5, v31, v26;
	v44 =	vsel vm6, v31, v27;
	v6 =	vadd.s32 v0, v6  }
0xa6: {  	v22 =	vshll.u32 v41, $0x1;
	vm11 =	vgt.f32 v46, v17;
	v60 =	vsel vm10, v45, v16  }
0xa7: {  	v45 =	vsel vm7, v31, v28;
	v48 =	vsel vm10, v31, v36;
	v21 =	vshll.u32 v40, $0x1  }
0xa8: {  	v22 =	vadd.s32 v0, v22;
	v23 =	vshll.u32 v42, $0x1;
	v24 =	vshll.u32 v43, $0x1  }
0xa9: {  	v25 =	vshll.u32 v44, $0x1;
	vm15 =	vgt.f32 v58, v4;
	vm4 =	veq.f32 v58, v4  }
0xaa: {  	vm6 =	veq.f32 v59, v3;
	v61 =	vsel vm11, v46, v17;
	vm12 =	vgt.f32 v35, v18  }
0xab: {  	v56 =	vld [tilespmem:s15+$0xB8F0];
	v46 =	vsel vm8, v31, v29;
	v49 =	vsel vm11, v31, v32;
	v21 =	vadd.s32 v0, v21  }
0xac: {  	v23 =	vadd.s32 v0, v23;
	v24 =	vadd.s32 v0, v24;
	v25 =	vadd.s32 v0, v25  }
0xad: {  	v26 =	vshll.u32 v45, $0x1;
	v29 =	vshll.u32 v48, $0x1;
	vm8 =	vgt.f32 v59, v3  }
0xae: {  	vm10 =	veq.f32 v60, v2;
	vm13 =	vgt.f32 v47, v19;
	v62 =	vsel vm12, v35, v18  }
0xaf: {  	v50 =	vsel vm12, v31, v33;
	v27 =	vshll.u32 v46, $0x1;
	v26 =	vadd.s32 v1, v26  }
0xb0: {  	v29 =	vadd.s32 v1, v29;
	vm12 =	veq.f32 v57, v5;
	vm14 =	vgt.f32 v56, v20  }
0xb1: {  	v63 =	vsel vm13, v47, v19;
	v47 =	vsel vm9, v31, v30;
	v51 =	vsel vm13, v31, v34  }
0xb2: {  	v19 =	vshll.u32 v38, $0x1;
	v27 =	vadd.s32 v1, v27;
	v30 =	vshll.u32 v49, $0x1  }
0xb3: {  	v32 =	vshll.u32 v50, $0x1;
	vm13 =	vlt.s32 v26, v6;
	vm11 =	vlt.s32 v29, v21  }
0xb4: {  	v11 =	vsel vm14, v56, v20;
	v52 =	vsel vm14, v31, v37;
	v19 =	vadd.s32 v0, v19  }
0xb5: {  	v20 =	vshll.u32 v39, $0x1;
	v28 =	vshll.u32 v47, $0x1;
	v30 =	vadd.s32 v1, v30  }
0xb6: {  	v32 =	vadd.s32 v1, v32;
	v33 =	vshll.u32 v51, $0x1;
	vm14 =	vgt.f32 v57, v5  }
0xb7: {  	vm0 =	vmand vm12, vm13;
	vm12 =	vgt.f32 v60, v2;
	vm13 =	veq.f32 v61, v9  }
0xb8: {  	v20 =	vadd.s32 v0, v20;
	v28 =	vadd.s32 v1, v28;
	v33 =	vadd.s32 v1, v33  }
0xb9: {  	v31 =	vshll.u32 v52, $0x1;
	vm0 =	vmor vm14, vm0;
	vm5 =	vlt.s32 v27, v19  }
0xba: {  	vm14 =	vlt.s32 v30, v22;
	v31 =	vadd.s32 v1, v31;
	v53 =	vsel vm0, v57, v5  }
0xbb: {  	v6 =	vsel vm0, v26, v6;
	vm1 =	vmand vm4, vm5;
	vm7 =	vlt.s32 v28, v20  }
0xbc: {  	vm5 =	veq.f32 v62, v10;
	vm0 =	vmor vm15, vm1;
	vm2 =	vmand vm6, vm7  }
0xbd: {  	vm1 =	vmand vm10, vm11;
	v6 =	vcvt.s32.f32 v6;
	vm15 =	vgt.f32 v61, v9  }
0xbe: {  	[tilespmem:$0x17000] =	vst v53;
	vm6 =	vlt.s32 v32, v23;
	vm7 =	vgt.f32 v62, v10;
	vm10 =	vgt.f32 v63, v8  }
0xbf: {  	v54 =	vsel vm0, v58, v4;
	v55 =	vsel vm0, v27, v19;
	vm9 =	vmor vm8, vm2;
	[tilespmem:$0x17400] =	vst v6  }
0xc0: {  	vm1 =	vmor vm12, vm1;
	vm2 =	vmand vm13, vm14;
	v3 =	vsel vm9, v59, v3;
	[tilespmem:$0x17080] =	vst v54  }
0xc1: {  	vm0 =	vmand vm5, vm6;
	v56 =	vcvt.s32.f32 v55;
	v2 =	vsel vm1, v60, v2;
	[tilespmem:$0x17100] =	vst v3  }
0xc2: {  	vm8 =	veq.f32 v63, v8;
	v57 =	vsel vm9, v28, v20;
	vm4 =	vmor vm15, vm2;
	[tilespmem:$0x17180] =	vst v2  }
0xc3: {  	v58 =	vsel vm1, v29, v21;
	v9 =	vsel vm4, v61, v9;
	v59 =	vcvt.s32.f32 v57;
	[tilespmem:$0x17480] =	vst v56  }
0xc4: {  	vm12 =	veq.f32 v11, v7;
	v60 =	vsel vm4, v30, v22;
	v3 =	vcvt.s32.f32 v58;
	[tilespmem:$0x17200] =	vst v9  }
0xc5: {  	vm0 =	vmor vm7, vm0;
	vm9 =	vlt.s32 v33, v24;
	v2 =	vcvt.s32.f32 v60;
	[tilespmem:$0x17500] =	vst v59  }
0xc6: {  	vm13 =	vlt.s32 v31, v25;
	vm1 =	vmand vm8, vm9;
	v61 =	vsel vm0, v32, v23;
	[tilespmem:$0x17580] =	vst v3  }
0xc7: {  	vm11 =	vmor vm10, vm1;
	v3 =	vsel vm0, v62, v10;
	[tilespmem:$0x17600] =	vst v2;
	v2 =	vcvt.s32.f32 v61  }
0xc8: {  	vm14 =	vgt.f32 v11, v7;
	vm1 =	vmand vm12, vm13;
	v62 =	vsel vm11, v33, v24;
	[tilespmem:$0x17280] =	vst v3  }
0xc9: {  	vm15 =	vmor vm14, vm1;
	v3 =	vsel vm11, v63, v8;
	[tilespmem:$0x17680] =	vst v2;
	v2 =	vcvt.s32.f32 v62  }
0xca: {  	v63 =	vsel vm15, v31, v25;
	[tilespmem:$0x17300] =	vst v3  }
0xcb: {  	s14 =	sadd.s32 $0x1, s14;
	v3 =	vsel vm15, v11, v7;
	[tilespmem:$0x17700] =	vst v2;
	v2 =	vcvt.s32.f32 v63  }
0xcc: {  	p0 =	sne.s32 s14, s8;
	[tilespmem:$0x17380] =	vst v3  }
.Ltmp4:
0xcd: {  	[tilespmem:$0x17780] =	vst v2;
	(pc) =	sbr.rel @p0 .LBB2_1-.Ltmp4, $4  }
0xce: {  	[hbm4b:s7+s2] =	stream.linear.scatter [tilespmem:s12], [sflag:$0x3], $0x800, $0x38;
	[tilespmem:$0x17800] =	vst v63  }
0xcf: {  	_ =	swait.ge [sflag:s13], $0x800  }
0xd0: {  	[sflag:s13] =	ssyncset.done $0x0  }
0xd1: {  	[sflag:s13] =	ssyncadd.s32 $0xFFFFF800  }
0xd2: {  	_ =	sfence.sel $0x180000  }
0xd3: {  	[bflag:$0x0] =	sbarrier.arrive $0xFFFF  }
0xd4: {  	p0 =	sne.s32 s1, $0x0;
	_ =	strace $0x90000047  }
0xd5: {  	s0 =	sadd.s32 @!p0 $0x100000, s0;
	[bflag:$0x2] =	sbarrier.arrive $0xFFFF  }
0xd6: {  	[sflag:s0] =	ssyncadd.tile.s32 @!p0 $0x1;
	_ =	shalt  }
.Lfunc_end2:
_tile_overlayer_lowered:
.L_overlay_start_2:
0xd7: {  	(tag) =	ssettag $0x2  }
0xd8: {  	s0 =	rddreg [dreg:$0x0];
	s2 =	stileid.u32  }
0xd9: {  	s1 =	rddreg [dreg:$0x1];
	p0 =	sne.s32 s2, $0x0  }
0xda: {  	s3 =	rddreg [dreg:$0x2];
	[bflag:$0x3] =	sbarrier.arrive $0xFFFF;
	s2 =	simm.s32 @!p0 $0x1C03  }
0xdb: {  	[timem:s3], [sflag:s2] =	dma.local @!p0 [hbm:s0], s1  }
0xdc: {  	s0 =	simm.s32 @!p0 $0x3  }
0xdd: {  	_ =	swait.ge @!p0 [sflag:s0], s1  }
0xde: {  	s1 =	ssub.s32 @!p0 $0x0, s1;
	[sflag:s0] =	ssyncset.done @!p0 $0x0  }
0xdf: {  	[sflag:s0] =	ssyncadd.s32 @!p0 s1  }
0xe0: {  	[bflag:$0x3] =	sbarrier.arrive $0xFFFF  }
0xe1: {  	_ =	shalt  }

</sc_bundles>
